<compile_context>
chip_gen: v7x
topology: tpu7x:2x2x1
jax: 0.10.2.dev20260603
libtpu: 0.0.44.dev20260713+nightly
codegen_flags: <defaults>
</compile_context>

<pallas_src>
import functools

import jax
import jax.numpy as jnp
from jax import lax
from jax.experimental import pallas as pl
from jax.experimental.pallas import tpu as pltpu
from jax.experimental.pallas import tpu_sc as plsc

_B, _H, _N, _DH = 8, 12, 577, 64
_K = 256
_KO = _K + 1
_NM = _N - 1
_KP = 272
_EPS = 1e-06
_MASK_VAL = -jnp.finfo(jnp.float32).max / 2


def _sample_body(cls_ref, val_ref, gum_ref, msk_ref, uid_ref, nm_ref):
    v = val_ref[0]
    vn = jnp.sqrt(jnp.sum(v * v, axis=-1))
    ca = jnp.sum(cls_ref[0] * vn, axis=0, keepdims=True)
    normed = ca / (jnp.sum(ca) + _EPS)
    logits = jnp.log(normed + _EPS)
    logits = jnp.where(msk_ref[0] > 0, logits, _MASK_VAL)
    scores = logits + gum_ref[0]
    am = jnp.argmax(scores, axis=1, keepdims=True)
    n_iota = lax.broadcasted_iota(jnp.int32, (_K, _NM), 1)
    member = jnp.any(am == n_iota, axis=0, keepdims=True)
    memf = member.astype(jnp.float32)
    m_i = lax.broadcasted_iota(jnp.int32, (_NM, _NM), 0)
    n_i = lax.broadcasted_iota(jnp.int32, (_NM, _NM), 1)
    tril = (m_i <= n_i).astype(jnp.float32)
    rank = jnp.dot(memf, tril, preferred_element_type=jnp.float32)
    ranki = rank.astype(jnp.int32)
    count = jnp.sum(member.astype(jnp.int32))
    i_iota = lax.broadcasted_iota(jnp.int32, (_KP, _NM), 0)
    n_iota2 = lax.broadcasted_iota(jnp.int32, (_KP, _NM), 1)
    sel = (ranki == i_iota) & member
    uid = jnp.sum(jnp.where(sel, n_iota2 + 1, 0), axis=1, keepdims=True)
    uid_ref[0] = uid
    io = lax.broadcasted_iota(jnp.int32, (_KO, 1), 0)
    nm_ref[0] = (io <= count).astype(jnp.int32)


def _sample_ids(cls_attn, value_t, gumbel, maskf):
    return pl.pallas_call(
        _sample_body,
        grid=(_B,),
        in_specs=[
            pl.BlockSpec((1, _H, _NM), lambda b: (b, 0, 0)),
            pl.BlockSpec((1, _H, _NM, _DH), lambda b: (b, 0, 0, 0)),
            pl.BlockSpec((1, _K, _NM), lambda b: (b, 0, 0)),
            pl.BlockSpec((1, 1, _NM), lambda b: (b, 0, 0)),
        ],
        out_specs=[
            pl.BlockSpec((1, _KP, 1), lambda b: (b, 0, 0)),
            pl.BlockSpec((1, _KO, 1), lambda b: (b, 0, 0)),
        ],
        out_shape=[
            jax.ShapeDtypeStruct((_B, _KP, 1), jnp.int32),
            jax.ShapeDtypeStruct((_B, _KO, 1), jnp.int32),
        ],
    )(cls_attn, value_t, gumbel, maskf)


_NC, _NS = 2, 16
_NW = _NC * _NS
_PAIRS = _B * _H
_PPW = _PAIRS // _NW
_CHUNKS = ((0, 88), (88, 88), (176, 81))


@functools.cache
def _make_sc_gather():
    @functools.partial(
        pl.kernel,
        mesh=plsc.VectorSubcoreMesh(core_axis_name="c", subcore_axis_name="s",
                                    num_cores=_NC, num_subcores=_NS),
        out_type=jax.ShapeDtypeStruct((_PAIRS, _KO, _N), jnp.float32),
        scratch_types=[
            pltpu.VMEM((_KP,), jnp.int32),
            pltpu.VMEM((88, _N), jnp.float32),
            pltpu.VMEM((81, _N), jnp.float32),
            pltpu.SemaphoreType.DMA,
        ],
        compiler_params=pltpu.CompilerParams(use_tc_tiling_on_sc=False),
    )
    def _sc_gather(table_hbm, ids_hbm, out_hbm, idx_v, buf_a, buf_c, sem):
        wid = lax.axis_index("s") * _NC + lax.axis_index("c")
        bufs = (buf_a, buf_a, buf_c)
        for p in range(_PPW):
            pair = wid * _PPW + p
            b = pair // _H
            pltpu.sync_copy(ids_hbm.at[b], idx_v)
            base = pair * _N
            for i in range(_KP // 16):
                sl = pl.ds(i * 16, 16)
                idx_v[sl] = idx_v[sl] + base
            for (c0, cn), buf in zip(_CHUNKS, bufs):
                cp = pltpu.async_copy(
                    table_hbm.at[idx_v.at[pl.ds(c0, cn)]], buf, sem)
                cp.wait()
                pltpu.sync_copy(buf, out_hbm.at[pair, pl.ds(c0, cn)])

    return _sc_gather


def kernel(attn, value, mask):
    u = jax.random.uniform(jax.random.key(42), (_B, _K, _NM),
                           dtype=attn.dtype, minval=0.0, maxval=1.0)
    gumbel = -jnp.log(-jnp.log(u + _EPS) + _EPS)
    cls_attn = attn[:, :, 0, 1:]
    value_t = value[:, :, 1:, :]
    maskf = mask[:, 1:].astype(jnp.float32).reshape(_B, 1, _NM)

    uid_out, nm_out = _sample_ids(cls_attn, value_t, gumbel, maskf)
    uidc = uid_out[:, :, 0]
    unique_ids = uidc[:, :_KO]
    new_mask = nm_out[:, :, 0] != 0

    table = attn.reshape(_B * _H * _N, _N)
    new_attn = _make_sc_gather()(table, uidc).reshape(_B, _H, _KO, _N)
    return new_attn, new_mask, unique_ids

# --- scband reference (transcript-rebuilt; emitter-appended) ---
"""Pipeline reference for scband-adaptive-token-sampling-2147483648519 (READ-ONLY COPY).

The authoritative reference and input builder live on the scoring server;
editing this copy changes nothing except your own understanding.
"""

import jax, jax.numpy as jnp
import numpy as np

OUTPUT_NUM_TOKENS = 256
EPS = 1e-06


def _log(t, eps=1e-06):
    return jnp.log(t + eps)


def setup_inputs(seed: int = 0) -> dict:
    key = jax.random.key(seed)
    k1, k2 = jax.random.split(key)
    B, H, N, Dh = 8, 12, 577, 64
    attn = jax.random.uniform(k1, (B, H, N, N), dtype=jnp.float32)
    value = jax.random.normal(k2, (B, H, N, Dh), dtype=jnp.float32)
    mask = jnp.ones((B, N), dtype=bool)
    return {"attn": attn, "value": value, "mask": mask}


def _forward(attn, value, mask):
    B, H, N, _ = attn.shape
    k = OUTPUT_NUM_TOKENS
    # cls token's attention to all other tokens
    cls_attn = attn[:, :, 0, 1:]                                   # b h n
    value_norms = jnp.linalg.norm(value[:, :, 1:, :], axis=-1)     # b h n
    cls_attn = jnp.einsum('bhn,bhn->bn', cls_attn, value_norms)    # b n
    normed_cls_attn = cls_attn / (jnp.sum(cls_attn, axis=-1, keepdims=True) + EPS)
    pseudo_logits = _log(normed_cls_attn)
    mask_without_cls = mask[:, 1:]
    mask_value = -jnp.finfo(attn.dtype).max / 2
    pseudo_logits = jnp.where(mask_without_cls, pseudo_logits, mask_value)
    pseudo_logits = jnp.broadcast_to(pseudo_logits[:, None, :], (B, k, N - 1))
    # gumbel noise (fixed key for determinism)
    u = jax.random.uniform(jax.random.key(42), (B, k, N - 1), dtype=attn.dtype, minval=0.0, maxval=1.0)
    gumbel = -_log(-_log(u))
    pseudo_logits = pseudo_logits + gumbel
    sampled_token_ids = jnp.argmax(pseudo_logits, axis=-1) + 1      # b k, values in [1, N-1]
    # per-row sorted unique with zero padding at the end (mimics torch.unique + pad_sequence)
    s = jnp.sort(sampled_token_ids, axis=-1)
    dup = jnp.concatenate([jnp.zeros((B, 1), dtype=bool), s[:, 1:] == s[:, :-1]], axis=1)
    sentinel = N  # larger than any sampled id
    s2 = jnp.where(dup, sentinel, s)
    s2 = jnp.sort(s2, axis=-1)
    unique_sampled_token_ids = jnp.where(s2 == sentinel, 0, s2)     # b k, sorted uniques then zeros
    new_mask = unique_sampled_token_ids != 0
    new_mask = jnp.pad(new_mask, ((0, 0), (1, 0)), constant_values=True)
    unique_sampled_token_ids = jnp.pad(unique_sampled_token_ids, ((0, 0), (1, 0)), constant_values=0)
    # batched_index_select along token dim of attn
    idx_full = jnp.broadcast_to(unique_sampled_token_ids[:, None, :, None], (B, H, k + 1, N))
    new_attn = jnp.take_along_axis(attn, idx_full, axis=2)          # b h (k+1) n
    return new_attn, new_mask, unique_sampled_token_ids


def reference(attn, value, mask):
    return _forward(attn, value, mask)

if __name__ == "__main__":
    import jax
    _d = setup_inputs()
    print(jax.jit(kernel)(*tuple(_d.values())))

</pallas_src>

<mosaic_0001>
#map = affine_map<(d0, d1) -> (0, 0)>
#map1 = affine_map<(d0, d1) -> (0, 0, 0)>
module attributes {stable_mosaic.version = 14 : i64} {
  func.func @_sc_gather(%arg0: i32, %arg1: i32, %arg2: memref<55392x577xf32, #tpu.memory_space<hbm>>, %arg3: memref<8x272xi32, #tpu.memory_space<hbm>>, %arg4: memref<96x257x577xf32, #tpu.memory_space<hbm>>, %arg5: memref<272xi32, #tpu.memory_space<vmem>>, %arg6: memref<88x577xf32, #tpu.memory_space<vmem>>, %arg7: memref<81x577xf32, #tpu.memory_space<vmem>>, %arg8: memref<!tpu.dma_semaphore, #tpu.memory_space<semaphore_mem>>) attributes {dimension_semantics = [#tpu.dimension_semantics<core_parallel>, #tpu.dimension_semantics<subcore_parallel>], iteration_bounds = array<i64: 2, 16>, scalar_prefetch = 0 : i64, scratch_operands = 4 : i64, tpu.core_type = #tpu.core_type<sc_vector_subcore>, window_params = [{transform_indices = #map}, {transform_indices = #map}, {transform_indices = #map1}]} {
    %mul3A = arith.constant 2 : i32
    %mul3A_0 = arith.muli %arg1, %mul3A : i32
    %add3A = arith.addi %mul3A_0, %arg0 : i32
    %mul3A_1 = arith.constant 3 : i32
    %mul3A_2 = arith.muli %add3A, %mul3A_1 : i32
    %add3A_3 = arith.constant 0 : i32
    %add3A_4 = arith.addi %mul3A_2, %add3A_3 : i32
    %jit3A = arith.constant 12 : i32
    %div3A = arith.divsi %add3A_4, %jit3A : i32
    %sign3A = arith.constant 0 : i32
    %sign3A_5 = arith.cmpi sgt, %add3A_4, %sign3A : i32
    %sign3A_6 = arith.extui %sign3A_5 : i1 to i32
    %sign3A_7 = arith.constant 0 : i32
    %sign3A_8 = arith.cmpi slt, %add3A_4, %sign3A_7 : i32
    %sign3A_9 = arith.extui %sign3A_8 : i1 to i32
    %sign3A_10 = arith.subi %sign3A_6, %sign3A_9 : i32
    %sign3A_11 = arith.constant 0 : i32
    %sign3A_12 = arith.cmpi sgt, %jit3A, %sign3A_11 : i32
    %sign3A_13 = arith.extui %sign3A_12 : i1 to i32
    %sign3A_14 = arith.constant 0 : i32
    %sign3A_15 = arith.cmpi slt, %jit3A, %sign3A_14 : i32
    %sign3A_16 = arith.extui %sign3A_15 : i1 to i32
    %sign3A_17 = arith.subi %sign3A_13, %sign3A_16 : i32
    %ne3A = arith.cmpi ne, %sign3A_10, %sign3A_17 : i32
    %rem3A = arith.remsi %add3A_4, %jit3A : i32
    %ne3A_18 = arith.constant 0 : i32
    %ne3A_19 = arith.cmpi ne, %rem3A, %ne3A_18 : i32
    %and3A = arith.andi %ne3A, %ne3A_19 : i1
    %sub3A = arith.constant 1 : i32
    %sub3A_20 = arith.subi %div3A, %sub3A : i32
    %select_n3A = arith.select %and3A, %sub3A_20, %div3A : i32
    "tpu.region"() ({
      %run_scoped3A = tpu.sem_alloc : memref<!tpu.dma_semaphore, #tpu.memory_space<semaphore_mem>>
      %dma_start3A_628 = arith.constant 0 : i32
      %dma_start3A_629 = tpu.memref_slice %arg3[%select_n3A, %dma_start3A_628] : memref<8x272xi32, #tpu.memory_space<hbm>> -> memref<1x272xi32, #tpu.memory_space<hbm>>
      %dma_start3A_630 = tpu.memref_squeeze %dma_start3A_629 : memref<1x272xi32, #tpu.memory_space<hbm>> -> memref<272xi32, #tpu.memory_space<hbm>>
      %dma_start3A_631 = arith.constant 0 : i32
      %dma_start3A_632 = tpu.memref_slice %arg3[%select_n3A, %dma_start3A_631] : memref<8x272xi32, #tpu.memory_space<hbm>> -> memref<1x272xi32, #tpu.memory_space<hbm>>
      %dma_start3A_633 = tpu.memref_squeeze %dma_start3A_632 : memref<1x272xi32, #tpu.memory_space<hbm>> -> memref<272xi32, #tpu.memory_space<hbm>>
      tpu.enqueue_dma source(%dma_start3A_633 : memref<272xi32, #tpu.memory_space<hbm>>) target(%arg5 : memref<272xi32, #tpu.memory_space<vmem>>) target_semaphore(%run_scoped3A : memref<!tpu.dma_semaphore, #tpu.memory_space<semaphore_mem>>)
      %dma_wait3A_634 = arith.constant 0 : i32
      %dma_wait3A_635 = tpu.memref_slice %arg3[%select_n3A, %dma_wait3A_634] : memref<8x272xi32, #tpu.memory_space<hbm>> -> memref<1x272xi32, #tpu.memory_space<hbm>>
      %dma_wait3A_636 = tpu.memref_squeeze %dma_wait3A_635 : memref<1x272xi32, #tpu.memory_space<hbm>> -> memref<272xi32, #tpu.memory_space<hbm>>
      %dma_wait3A_637 = arith.constant 0 : i32
      %dma_wait3A_638 = tpu.memref_slice %arg3[%select_n3A, %dma_wait3A_637] : memref<8x272xi32, #tpu.memory_space<hbm>> -> memref<1x272xi32, #tpu.memory_space<hbm>>
      %dma_wait3A_639 = tpu.memref_squeeze %dma_wait3A_638 : memref<1x272xi32, #tpu.memory_space<hbm>> -> memref<272xi32, #tpu.memory_space<hbm>>
      tpu.wait_dma2 semaphore(%run_scoped3A : memref<!tpu.dma_semaphore, #tpu.memory_space<semaphore_mem>>) src(%dma_wait3A_639 : memref<272xi32, #tpu.memory_space<hbm>>) dst(%arg5 : memref<272xi32, #tpu.memory_space<vmem>>)
      tpu.yield
    }) : () -> ()
    %mul3A_21 = arith.constant 577 : i32
    %mul3A_22 = arith.muli %add3A_4, %mul3A_21 : i32
    %get3A = arith.constant 0 : index
    %get3A_23 = tpu.vector_load %arg5[%get3A] {strides = array<i32>} : memref<272xi32, #tpu.memory_space<vmem>>, vector<16xi32>,
    %get3A_24 = vector.shape_cast %get3A_23 : vector<16xi32> to vector<16xi32>
    %add3A_25 = vector.broadcast %mul3A_22 : i32 to vector<16xi32>
    %add3A_26 = arith.addi %get3A_24, %add3A_25 : vector<16xi32>
    %swap3A = arith.constant 0 : index
    %swap3A_27 = tpu.vector_load %arg5[%swap3A] {strides = array<i32>} : memref<272xi32, #tpu.memory_space<vmem>>, vector<16xi32>,
    %swap3A_28 = vector.shape_cast %swap3A_27 : vector<16xi32> to vector<16xi32>
    %swap3A_29 = vector.shape_cast %add3A_26 : vector<16xi32> to vector<16xi32>
    tpu.vector_store %arg5[%swap3A], %swap3A_29 {strides = array<i32>} : memref<272xi32, #tpu.memory_space<vmem>>, vector<16xi32>,
    %get3A_30 = arith.constant 16 : index
    %get3A_31 = tpu.vector_load %arg5[%get3A_30] {strides = array<i32>} : memref<272xi32, #tpu.memory_space<vmem>>, vector<16xi32>,
    %get3A_32 = vector.shape_cast %get3A_31 : vector<16xi32> to vector<16xi32>
    %add3A_33 = vector.broadcast %mul3A_22 : i32 to vector<16xi32>
    %add3A_34 = arith.addi %get3A_32, %add3A_33 : vector<16xi32>
    %swap3A_35 = arith.constant 16 : index
    %swap3A_36 = tpu.vector_load %arg5[%swap3A_35] {strides = array<i32>} : memref<272xi32, #tpu.memory_space<vmem>>, vector<16xi32>,
    %swap3A_37 = vector.shape_cast %swap3A_36 : vector<16xi32> to vector<16xi32>
    %swap3A_38 = vector.shape_cast %add3A_34 : vector<16xi32> to vector<16xi32>
    tpu.vector_store %arg5[%swap3A_35], %swap3A_38 {strides = array<i32>} : memref<272xi32, #tpu.memory_space<vmem>>, vector<16xi32>,
    %get3A_39 = arith.constant 32 : index
    %get3A_40 = tpu.vector_load %arg5[%get3A_39] {strides = array<i32>} : memref<272xi32, #tpu.memory_space<vmem>>, vector<16xi32>,
    %get3A_41 = vector.shape_cast %get3A_40 : vector<16xi32> to vector<16xi32>
    %add3A_42 = vector.broadcast %mul3A_22 : i32 to vector<16xi32>
    %add3A_43 = arith.addi %get3A_41, %add3A_42 : vector<16xi32>
    %swap3A_44 = arith.constant 32 : index
    %swap3A_45 = tpu.vector_load %arg5[%swap3A_44] {strides = array<i32>} : memref<272xi32, #tpu.memory_space<vmem>>, vector<16xi32>,
    %swap3A_46 = vector.shape_cast %swap3A_45 : vector<16xi32> to vector<16xi32>
    %swap3A_47 = vector.shape_cast %add3A_43 : vector<16xi32> to vector<16xi32>
    tpu.vector_store %arg5[%swap3A_44], %swap3A_47 {strides = array<i32>} : memref<272xi32, #tpu.memory_space<vmem>>, vector<16xi32>,
    %get3A_48 = arith.constant 48 : index
    %get3A_49 = tpu.vector_load %arg5[%get3A_48] {strides = array<i32>} : memref<272xi32, #tpu.memory_space<vmem>>, vector<16xi32>,
    %get3A_50 = vector.shape_cast %get3A_49 : vector<16xi32> to vector<16xi32>
    %add3A_51 = vector.broadcast %mul3A_22 : i32 to vector<16xi32>
    %add3A_52 = arith.addi %get3A_50, %add3A_51 : vector<16xi32>
    %swap3A_53 = arith.constant 48 : index
    %swap3A_54 = tpu.vector_load %arg5[%swap3A_53] {strides = array<i32>} : memref<272xi32, #tpu.memory_space<vmem>>, vector<16xi32>,
    %swap3A_55 = vector.shape_cast %swap3A_54 : vector<16xi32> to vector<16xi32>
    %swap3A_56 = vector.shape_cast %add3A_52 : vector<16xi32> to vector<16xi32>
    tpu.vector_store %arg5[%swap3A_53], %swap3A_56 {strides = array<i32>} : memref<272xi32, #tpu.memory_space<vmem>>, vector<16xi32>,
    %get3A_57 = arith.constant 64 : index
    %get3A_58 = tpu.vector_load %arg5[%get3A_57] {strides = array<i32>} : memref<272xi32, #tpu.memory_space<vmem>>, vector<16xi32>,
    %get3A_59 = vector.shape_cast %get3A_58 : vector<16xi32> to vector<16xi32>
    %add3A_60 = vector.broadcast %mul3A_22 : i32 to vector<16xi32>
    %add3A_61 = arith.addi %get3A_59, %add3A_60 : vector<16xi32>
    %swap3A_62 = arith.constant 64 : index
    %swap3A_63 = tpu.vector_load %arg5[%swap3A_62] {strides = array<i32>} : memref<272xi32, #tpu.memory_space<vmem>>, vector<16xi32>,
    %swap3A_64 = vector.shape_cast %swap3A_63 : vector<16xi32> to vector<16xi32>
    %swap3A_65 = vector.shape_cast %add3A_61 : vector<16xi32> to vector<16xi32>
    tpu.vector_store %arg5[%swap3A_62], %swap3A_65 {strides = array<i32>} : memref<272xi32, #tpu.memory_space<vmem>>, vector<16xi32>,
    %get3A_66 = arith.constant 80 : index
    %get3A_67 = tpu.vector_load %arg5[%get3A_66] {strides = array<i32>} : memref<272xi32, #tpu.memory_space<vmem>>, vector<16xi32>,
    %get3A_68 = vector.shape_cast %get3A_67 : vector<16xi32> to vector<16xi32>
    %add3A_69 = vector.broadcast %mul3A_22 : i32 to vector<16xi32>
    %add3A_70 = arith.addi %get3A_68, %add3A_69 : vector<16xi32>
    %swap3A_71 = arith.constant 80 : index
    %swap3A_72 = tpu.vector_load %arg5[%swap3A_71] {strides = array<i32>} : memref<272xi32, #tpu.memory_space<vmem>>, vector<16xi32>,
    %swap3A_73 = vector.shape_cast %swap3A_72 : vector<16xi32> to vector<16xi32>
    %swap3A_74 = vector.shape_cast %add3A_70 : vector<16xi32> to vector<16xi32>
    tpu.vector_store %arg5[%swap3A_71], %swap3A_74 {strides = array<i32>} : memref<272xi32, #tpu.memory_space<vmem>>, vector<16xi32>,
    %get3A_75 = arith.constant 96 : index
    %get3A_76 = tpu.vector_load %arg5[%get3A_75] {strides = array<i32>} : memref<272xi32, #tpu.memory_space<vmem>>, vector<16xi32>,
    %get3A_77 = vector.shape_cast %get3A_76 : vector<16xi32> to vector<16xi32>
    %add3A_78 = vector.broadcast %mul3A_22 : i32 to vector<16xi32>
    %add3A_79 = arith.addi %get3A_77, %add3A_78 : vector<16xi32>
    %swap3A_80 = arith.constant 96 : index
    %swap3A_81 = tpu.vector_load %arg5[%swap3A_80] {strides = array<i32>} : memref<272xi32, #tpu.memory_space<vmem>>, vector<16xi32>,
    %swap3A_82 = vector.shape_cast %swap3A_81 : vector<16xi32> to vector<16xi32>
    %swap3A_83 = vector.shape_cast %add3A_79 : vector<16xi32> to vector<16xi32>
    tpu.vector_store %arg5[%swap3A_80], %swap3A_83 {strides = array<i32>} : memref<272xi32, #tpu.memory_space<vmem>>, vector<16xi32>,
    %get3A_84 = arith.constant 112 : index
    %get3A_85 = tpu.vector_load %arg5[%get3A_84] {strides = array<i32>} : memref<272xi32, #tpu.memory_space<vmem>>, vector<16xi32>,
    %get3A_86 = vector.shape_cast %get3A_85 : vector<16xi32> to vector<16xi32>
    %add3A_87 = vector.broadcast %mul3A_22 : i32 to vector<16xi32>
    %add3A_88 = arith.addi %get3A_86, %add3A_87 : vector<16xi32>
    %swap3A_89 = arith.constant 112 : index
    %swap3A_90 = tpu.vector_load %arg5[%swap3A_89] {strides = array<i32>} : memref<272xi32, #tpu.memory_space<vmem>>, vector<16xi32>,
    %swap3A_91 = vector.shape_cast %swap3A_90 : vector<16xi32> to vector<16xi32>
    %swap3A_92 = vector.shape_cast %add3A_88 : vector<16xi32> to vector<16xi32>
    tpu.vector_store %arg5[%swap3A_89], %swap3A_92 {strides = array<i32>} : memref<272xi32, #tpu.memory_space<vmem>>, vector<16xi32>,
    %get3A_93 = arith.constant 128 : index
    %get3A_94 = tpu.vector_load %arg5[%get3A_93] {strides = array<i32>} : memref<272xi32, #tpu.memory_space<vmem>>, vector<16xi32>,
    %get3A_95 = vector.shape_cast %get3A_94 : vector<16xi32> to vector<16xi32>
    %add3A_96 = vector.broadcast %mul3A_22 : i32 to vector<16xi32>
    %add3A_97 = arith.addi %get3A_95, %add3A_96 : vector<16xi32>
    %swap3A_98 = arith.constant 128 : index
    %swap3A_99 = tpu.vector_load %arg5[%swap3A_98] {strides = array<i32>} : memref<272xi32, #tpu.memory_space<vmem>>, vector<16xi32>,
    %swap3A_100 = vector.shape_cast %swap3A_99 : vector<16xi32> to vector<16xi32>
    %swap3A_101 = vector.shape_cast %add3A_97 : vector<16xi32> to vector<16xi32>
    tpu.vector_store %arg5[%swap3A_98], %swap3A_101 {strides = array<i32>} : memref<272xi32, #tpu.memory_space<vmem>>, vector<16xi32>,
    %get3A_102 = arith.constant 144 : index
    %get3A_103 = tpu.vector_load %arg5[%get3A_102] {strides = array<i32>} : memref<272xi32, #tpu.memory_space<vmem>>, vector<16xi32>,
    %get3A_104 = vector.shape_cast %get3A_103 : vector<16xi32> to vector<16xi32>
    %add3A_105 = vector.broadcast %mul3A_22 : i32 to vector<16xi32>
    %add3A_106 = arith.addi %get3A_104, %add3A_105 : vector<16xi32>
    %swap3A_107 = arith.constant 144 : index
    %swap3A_108 = tpu.vector_load %arg5[%swap3A_107] {strides = array<i32>} : memref<272xi32, #tpu.memory_space<vmem>>, vector<16xi32>,
    %swap3A_109 = vector.shape_cast %swap3A_108 : vector<16xi32> to vector<16xi32>
    %swap3A_110 = vector.shape_cast %add3A_106 : vector<16xi32> to vector<16xi32>
    tpu.vector_store %arg5[%swap3A_107], %swap3A_110 {strides = array<i32>} : memref<272xi32, #tpu.memory_space<vmem>>, vector<16xi32>,
    %get3A_111 = arith.constant 160 : index
    %get3A_112 = tpu.vector_load %arg5[%get3A_111] {strides = array<i32>} : memref<272xi32, #tpu.memory_space<vmem>>, vector<16xi32>,
    %get3A_113 = vector.shape_cast %get3A_112 : vector<16xi32> to vector<16xi32>
    %add3A_114 = vector.broadcast %mul3A_22 : i32 to vector<16xi32>
    %add3A_115 = arith.addi %get3A_113, %add3A_114 : vector<16xi32>
    %swap3A_116 = arith.constant 160 : index
    %swap3A_117 = tpu.vector_load %arg5[%swap3A_116] {strides = array<i32>} : memref<272xi32, #tpu.memory_space<vmem>>, vector<16xi32>,
    %swap3A_118 = vector.shape_cast %swap3A_117 : vector<16xi32> to vector<16xi32>
    %swap3A_119 = vector.shape_cast %add3A_115 : vector<16xi32> to vector<16xi32>
    tpu.vector_store %arg5[%swap3A_116], %swap3A_119 {strides = array<i32>} : memref<272xi32, #tpu.memory_space<vmem>>, vector<16xi32>,
    %get3A_120 = arith.constant 176 : index
    %get3A_121 = tpu.vector_load %arg5[%get3A_120] {strides = array<i32>} : memref<272xi32, #tpu.memory_space<vmem>>, vector<16xi32>,
    %get3A_122 = vector.shape_cast %get3A_121 : vector<16xi32> to vector<16xi32>
    %add3A_123 = vector.broadcast %mul3A_22 : i32 to vector<16xi32>
    %add3A_124 = arith.addi %get3A_122, %add3A_123 : vector<16xi32>
    %swap3A_125 = arith.constant 176 : index
    %swap3A_126 = tpu.vector_load %arg5[%swap3A_125] {strides = array<i32>} : memref<272xi32, #tpu.memory_space<vmem>>, vector<16xi32>,
    %swap3A_127 = vector.shape_cast %swap3A_126 : vector<16xi32> to vector<16xi32>
    %swap3A_128 = vector.shape_cast %add3A_124 : vector<16xi32> to vector<16xi32>
    tpu.vector_store %arg5[%swap3A_125], %swap3A_128 {strides = array<i32>} : memref<272xi32, #tpu.memory_space<vmem>>, vector<16xi32>,
    %get3A_129 = arith.constant 192 : index
    %get3A_130 = tpu.vector_load %arg5[%get3A_129] {strides = array<i32>} : memref<272xi32, #tpu.memory_space<vmem>>, vector<16xi32>,
    %get3A_131 = vector.shape_cast %get3A_130 : vector<16xi32> to vector<16xi32>
    %add3A_132 = vector.broadcast %mul3A_22 : i32 to vector<16xi32>
    %add3A_133 = arith.addi %get3A_131, %add3A_132 : vector<16xi32>
    %swap3A_134 = arith.constant 192 : index
    %swap3A_135 = tpu.vector_load %arg5[%swap3A_134] {strides = array<i32>} : memref<272xi32, #tpu.memory_space<vmem>>, vector<16xi32>,
    %swap3A_136 = vector.shape_cast %swap3A_135 : vector<16xi32> to vector<16xi32>
    %swap3A_137 = vector.shape_cast %add3A_133 : vector<16xi32> to vector<16xi32>
    tpu.vector_store %arg5[%swap3A_134], %swap3A_137 {strides = array<i32>} : memref<272xi32, #tpu.memory_space<vmem>>, vector<16xi32>,
    %get3A_138 = arith.constant 208 : index
    %get3A_139 = tpu.vector_load %arg5[%get3A_138] {strides = array<i32>} : memref<272xi32, #tpu.memory_space<vmem>>, vector<16xi32>,
    %get3A_140 = vector.shape_cast %get3A_139 : vector<16xi32> to vector<16xi32>
    %add3A_141 = vector.broadcast %mul3A_22 : i32 to vector<16xi32>
    %add3A_142 = arith.addi %get3A_140, %add3A_141 : vector<16xi32>
    %swap3A_143 = arith.constant 208 : index
    %swap3A_144 = tpu.vector_load %arg5[%swap3A_143] {strides = array<i32>} : memref<272xi32, #tpu.memory_space<vmem>>, vector<16xi32>,
    %swap3A_145 = vector.shape_cast %swap3A_144 : vector<16xi32> to vector<16xi32>
    %swap3A_146 = vector.shape_cast %add3A_142 : vector<16xi32> to vector<16xi32>
    tpu.vector_store %arg5[%swap3A_143], %swap3A_146 {strides = array<i32>} : memref<272xi32, #tpu.memory_space<vmem>>, vector<16xi32>,
    %get3A_147 = arith.constant 224 : index
    %get3A_148 = tpu.vector_load %arg5[%get3A_147] {strides = array<i32>} : memref<272xi32, #tpu.memory_space<vmem>>, vector<16xi32>,
    %get3A_149 = vector.shape_cast %get3A_148 : vector<16xi32> to vector<16xi32>
    %add3A_150 = vector.broadcast %mul3A_22 : i32 to vector<16xi32>
    %add3A_151 = arith.addi %get3A_149, %add3A_150 : vector<16xi32>
    %swap3A_152 = arith.constant 224 : index
    %swap3A_153 = tpu.vector_load %arg5[%swap3A_152] {strides = array<i32>} : memref<272xi32, #tpu.memory_space<vmem>>, vector<16xi32>,
    %swap3A_154 = vector.shape_cast %swap3A_153 : vector<16xi32> to vector<16xi32>
    %swap3A_155 = vector.shape_cast %add3A_151 : vector<16xi32> to vector<16xi32>
    tpu.vector_store %arg5[%swap3A_152], %swap3A_155 {strides = array<i32>} : memref<272xi32, #tpu.memory_space<vmem>>, vector<16xi32>,
    %get3A_156 = arith.constant 240 : index
    %get3A_157 = tpu.vector_load %arg5[%get3A_156] {strides = array<i32>} : memref<272xi32, #tpu.memory_space<vmem>>, vector<16xi32>,
    %get3A_158 = vector.shape_cast %get3A_157 : vector<16xi32> to vector<16xi32>
    %add3A_159 = vector.broadcast %mul3A_22 : i32 to vector<16xi32>
    %add3A_160 = arith.addi %get3A_158, %add3A_159 : vector<16xi32>
    %swap3A_161 = arith.constant 240 : index
    %swap3A_162 = tpu.vector_load %arg5[%swap3A_161] {strides = array<i32>} : memref<272xi32, #tpu.memory_space<vmem>>, vector<16xi32>,
    %swap3A_163 = vector.shape_cast %swap3A_162 : vector<16xi32> to vector<16xi32>
    %swap3A_164 = vector.shape_cast %add3A_160 : vector<16xi32> to vector<16xi32>
    tpu.vector_store %arg5[%swap3A_161], %swap3A_164 {strides = array<i32>} : memref<272xi32, #tpu.memory_space<vmem>>, vector<16xi32>,
    %get3A_165 = arith.constant 256 : index
    %get3A_166 = tpu.vector_load %arg5[%get3A_165] {strides = array<i32>} : memref<272xi32, #tpu.memory_space<vmem>>, vector<16xi32>,
    %get3A_167 = vector.shape_cast %get3A_166 : vector<16xi32> to vector<16xi32>
    %add3A_168 = vector.broadcast %mul3A_22 : i32 to vector<16xi32>
    %add3A_169 = arith.addi %get3A_167, %add3A_168 : vector<16xi32>
    %swap3A_170 = arith.constant 256 : index
    %swap3A_171 = tpu.vector_load %arg5[%swap3A_170] {strides = array<i32>} : memref<272xi32, #tpu.memory_space<vmem>>, vector<16xi32>,
    %swap3A_172 = vector.shape_cast %swap3A_171 : vector<16xi32> to vector<16xi32>
    %swap3A_173 = vector.shape_cast %add3A_169 : vector<16xi32> to vector<16xi32>
    tpu.vector_store %arg5[%swap3A_170], %swap3A_173 {strides = array<i32>} : memref<272xi32, #tpu.memory_space<vmem>>, vector<16xi32>,
    %dma_start3A = arith.constant 0 : i32
    %dma_start3A_174 = tpu.memref_slice %arg5[%dma_start3A] : memref<272xi32, #tpu.memory_space<vmem>> -> memref<88xi32, #tpu.memory_space<vmem>>
    %dma_start3A_175 = arith.constant 0 : i32
    %dma_start3A_176 = arith.constant 0 : i32
    %dma_start3A_177 = tpu.memref_slice %arg2[%dma_start3A_175, %dma_start3A_176] : memref<55392x577xf32, #tpu.memory_space<hbm>> -> memref<55392x577xf32, #tpu.memory_space<hbm>>
    tpu.enqueue_indirect_dma source(%dma_start3A_177 : memref<55392x577xf32, #tpu.memory_space<hbm>>) target(%arg6 : memref<88x577xf32, #tpu.memory_space<vmem>>) offsets(%dma_start3A_174 : memref<88xi32, #tpu.memory_space<vmem>>) semaphore(%arg8 : memref<!tpu.dma_semaphore, #tpu.memory_space<semaphore_mem>>)
    %dma_wait3A = arith.constant 0 : i32
    %dma_wait3A_178 = tpu.memref_slice %arg5[%dma_wait3A] : memref<272xi32, #tpu.memory_space<vmem>> -> memref<88xi32, #tpu.memory_space<vmem>>
    %dma_wait3A_179 = arith.constant 0 : i32
    %dma_wait3A_180 = arith.constant 0 : i32
    %dma_wait3A_181 = tpu.memref_slice %arg2[%dma_wait3A_179, %dma_wait3A_180] : memref<55392x577xf32, #tpu.memory_space<hbm>> -> memref<55392x577xf32, #tpu.memory_space<hbm>>
    tpu.wait_indirect_dma semaphore(%arg8 : memref<!tpu.dma_semaphore, #tpu.memory_space<semaphore_mem>>) src(%dma_wait3A_181 : memref<55392x577xf32, #tpu.memory_space<hbm>>) dst(%arg6 : memref<88x577xf32, #tpu.memory_space<vmem>>)
    "tpu.region"() ({
      %run_scoped3A = tpu.sem_alloc : memref<!tpu.dma_semaphore, #tpu.memory_space<semaphore_mem>>
      %dma_start3A_628 = arith.constant 0 : i32
      %dma_start3A_629 = arith.constant 0 : i32
      %dma_start3A_630 = tpu.memref_slice %arg4[%add3A_4, %dma_start3A_628, %dma_start3A_629] : memref<96x257x577xf32, #tpu.memory_space<hbm>> -> memref<1x88x577xf32, #tpu.memory_space<hbm>>
      %dma_start3A_631 = tpu.memref_squeeze %dma_start3A_630 : memref<1x88x577xf32, #tpu.memory_space<hbm>> -> memref<88x577xf32, #tpu.memory_space<hbm>>
      %dma_start3A_632 = arith.constant 0 : i32
      %dma_start3A_633 = arith.constant 0 : i32
      %dma_start3A_634 = tpu.memref_slice %arg4[%add3A_4, %dma_start3A_632, %dma_start3A_633] : memref<96x257x577xf32, #tpu.memory_space<hbm>> -> memref<1x88x577xf32, #tpu.memory_space<hbm>>
      %dma_start3A_635 = tpu.memref_squeeze %dma_start3A_634 : memref<1x88x577xf32, #tpu.memory_space<hbm>> -> memref<88x577xf32, #tpu.memory_space<hbm>>
      tpu.enqueue_dma source(%arg6 : memref<88x577xf32, #tpu.memory_space<vmem>>) target(%dma_start3A_635 : memref<88x577xf32, #tpu.memory_space<hbm>>) target_semaphore(%run_scoped3A : memref<!tpu.dma_semaphore, #tpu.memory_space<semaphore_mem>>)
      %dma_wait3A_636 = arith.constant 0 : i32
      %dma_wait3A_637 = arith.constant 0 : i32
      %dma_wait3A_638 = tpu.memref_slice %arg4[%add3A_4, %dma_wait3A_636, %dma_wait3A_637] : memref<96x257x577xf32, #tpu.memory_space<hbm>> -> memref<1x88x577xf32, #tpu.memory_space<hbm>>
      %dma_wait3A_639 = tpu.memref_squeeze %dma_wait3A_638 : memref<1x88x577xf32, #tpu.memory_space<hbm>> -> memref<88x577xf32, #tpu.memory_space<hbm>>
      %dma_wait3A_640 = arith.constant 0 : i32
      %dma_wait3A_641 = arith.constant 0 : i32
      %dma_wait3A_642 = tpu.memref_slice %arg4[%add3A_4, %dma_wait3A_640, %dma_wait3A_641] : memref<96x257x577xf32, #tpu.memory_space<hbm>> -> memref<1x88x577xf32, #tpu.memory_space<hbm>>
      %dma_wait3A_643 = tpu.memref_squeeze %dma_wait3A_642 : memref<1x88x577xf32, #tpu.memory_space<hbm>> -> memref<88x577xf32, #tpu.memory_space<hbm>>
      tpu.wait_dma2 semaphore(%run_scoped3A : memref<!tpu.dma_semaphore, #tpu.memory_space<semaphore_mem>>) src(%arg6 : memref<88x577xf32, #tpu.memory_space<vmem>>) dst(%dma_wait3A_643 : memref<88x577xf32, #tpu.memory_space<hbm>>)
      tpu.yield
    }) : () -> ()
    %dma_start3A_182 = arith.constant 88 : i32
    %dma_start3A_183 = tpu.memref_slice %arg5[%dma_start3A_182] : memref<272xi32, #tpu.memory_space<vmem>> -> memref<88xi32, #tpu.memory_space<vmem>>
    %dma_start3A_184 = arith.constant 0 : i32
    %dma_start3A_185 = arith.constant 0 : i32
    %dma_start3A_186 = tpu.memref_slice %arg2[%dma_start3A_184, %dma_start3A_185] : memref<55392x577xf32, #tpu.memory_space<hbm>> -> memref<55392x577xf32, #tpu.memory_space<hbm>>
    tpu.enqueue_indirect_dma source(%dma_start3A_186 : memref<55392x577xf32, #tpu.memory_space<hbm>>) target(%arg6 : memref<88x577xf32, #tpu.memory_space<vmem>>) offsets(%dma_start3A_183 : memref<88xi32, #tpu.memory_space<vmem>>) semaphore(%arg8 : memref<!tpu.dma_semaphore, #tpu.memory_space<semaphore_mem>>)
    %dma_wait3A_187 = arith.constant 88 : i32
    %dma_wait3A_188 = tpu.memref_slice %arg5[%dma_wait3A_187] : memref<272xi32, #tpu.memory_space<vmem>> -> memref<88xi32, #tpu.memory_space<vmem>>
    %dma_wait3A_189 = arith.constant 0 : i32
    %dma_wait3A_190 = arith.constant 0 : i32
    %dma_wait3A_191 = tpu.memref_slice %arg2[%dma_wait3A_189, %dma_wait3A_190] : memref<55392x577xf32, #tpu.memory_space<hbm>> -> memref<55392x577xf32, #tpu.memory_space<hbm>>
    tpu.wait_indirect_dma semaphore(%arg8 : memref<!tpu.dma_semaphore, #tpu.memory_space<semaphore_mem>>) src(%dma_wait3A_191 : memref<55392x577xf32, #tpu.memory_space<hbm>>) dst(%arg6 : memref<88x577xf32, #tpu.memory_space<vmem>>)
    "tpu.region"() ({
      %run_scoped3A = tpu.sem_alloc : memref<!tpu.dma_semaphore, #tpu.memory_space<semaphore_mem>>
      %dma_start3A_628 = arith.constant 88 : i32
      %dma_start3A_629 = arith.constant 0 : i32
      %dma_start3A_630 = tpu.memref_slice %arg4[%add3A_4, %dma_start3A_628, %dma_start3A_629] : memref<96x257x577xf32, #tpu.memory_space<hbm>> -> memref<1x88x577xf32, #tpu.memory_space<hbm>>
      %dma_start3A_631 = tpu.memref_squeeze %dma_start3A_630 : memref<1x88x577xf32, #tpu.memory_space<hbm>> -> memref<88x577xf32, #tpu.memory_space<hbm>>
      %dma_start3A_632 = arith.constant 88 : i32
      %dma_start3A_633 = arith.constant 0 : i32
      %dma_start3A_634 = tpu.memref_slice %arg4[%add3A_4, %dma_start3A_632, %dma_start3A_633] : memref<96x257x577xf32, #tpu.memory_space<hbm>> -> memref<1x88x577xf32, #tpu.memory_space<hbm>>
      %dma_start3A_635 = tpu.memref_squeeze %dma_start3A_634 : memref<1x88x577xf32, #tpu.memory_space<hbm>> -> memref<88x577xf32, #tpu.memory_space<hbm>>
      tpu.enqueue_dma source(%arg6 : memref<88x577xf32, #tpu.memory_space<vmem>>) target(%dma_start3A_635 : memref<88x577xf32, #tpu.memory_space<hbm>>) target_semaphore(%run_scoped3A : memref<!tpu.dma_semaphore, #tpu.memory_space<semaphore_mem>>)
      %dma_wait3A_636 = arith.constant 88 : i32
      %dma_wait3A_637 = arith.constant 0 : i32
      %dma_wait3A_638 = tpu.memref_slice %arg4[%add3A_4, %dma_wait3A_636, %dma_wait3A_637] : memref<96x257x577xf32, #tpu.memory_space<hbm>> -> memref<1x88x577xf32, #tpu.memory_space<hbm>>
      %dma_wait3A_639 = tpu.memref_squeeze %dma_wait3A_638 : memref<1x88x577xf32, #tpu.memory_space<hbm>> -> memref<88x577xf32, #tpu.memory_space<hbm>>
      %dma_wait3A_640 = arith.constant 88 : i32
      %dma_wait3A_641 = arith.constant 0 : i32
      %dma_wait3A_642 = tpu.memref_slice %arg4[%add3A_4, %dma_wait3A_640, %dma_wait3A_641] : memref<96x257x577xf32, #tpu.memory_space<hbm>> -> memref<1x88x577xf32, #tpu.memory_space<hbm>>
      %dma_wait3A_643 = tpu.memref_squeeze %dma_wait3A_642 : memref<1x88x577xf32, #tpu.memory_space<hbm>> -> memref<88x577xf32, #tpu.memory_space<hbm>>
      tpu.wait_dma2 semaphore(%run_scoped3A : memref<!tpu.dma_semaphore, #tpu.memory_space<semaphore_mem>>) src(%arg6 : memref<88x577xf32, #tpu.memory_space<vmem>>) dst(%dma_wait3A_643 : memref<88x577xf32, #tpu.memory_space<hbm>>)
      tpu.yield
    }) : () -> ()
    %dma_start3A_192 = arith.constant 176 : i32
    %dma_start3A_193 = tpu.memref_slice %arg5[%dma_start3A_192] : memref<272xi32, #tpu.memory_space<vmem>> -> memref<81xi32, #tpu.memory_space<vmem>>
    %dma_start3A_194 = arith.constant 0 : i32
    %dma_start3A_195 = arith.constant 0 : i32
    %dma_start3A_196 = tpu.memref_slice %arg2[%dma_start3A_194, %dma_start3A_195] : memref<55392x577xf32, #tpu.memory_space<hbm>> -> memref<55392x577xf32, #tpu.memory_space<hbm>>
    tpu.enqueue_indirect_dma source(%dma_start3A_196 : memref<55392x577xf32, #tpu.memory_space<hbm>>) target(%arg7 : memref<81x577xf32, #tpu.memory_space<vmem>>) offsets(%dma_start3A_193 : memref<81xi32, #tpu.memory_space<vmem>>) semaphore(%arg8 : memref<!tpu.dma_semaphore, #tpu.memory_space<semaphore_mem>>)
    %dma_wait3A_197 = arith.constant 176 : i32
    %dma_wait3A_198 = tpu.memref_slice %arg5[%dma_wait3A_197] : memref<272xi32, #tpu.memory_space<vmem>> -> memref<81xi32, #tpu.memory_space<vmem>>
    %dma_wait3A_199 = arith.constant 0 : i32
    %dma_wait3A_200 = arith.constant 0 : i32
    %dma_wait3A_201 = tpu.memref_slice %arg2[%dma_wait3A_199, %dma_wait3A_200] : memref<55392x577xf32, #tpu.memory_space<hbm>> -> memref<55392x577xf32, #tpu.memory_space<hbm>>
    tpu.wait_indirect_dma semaphore(%arg8 : memref<!tpu.dma_semaphore, #tpu.memory_space<semaphore_mem>>) src(%dma_wait3A_201 : memref<55392x577xf32, #tpu.memory_space<hbm>>) dst(%arg7 : memref<81x577xf32, #tpu.memory_space<vmem>>)
    "tpu.region"() ({
      %run_scoped3A = tpu.sem_alloc : memref<!tpu.dma_semaphore, #tpu.memory_space<semaphore_mem>>
      %dma_start3A_628 = arith.constant 176 : i32
      %dma_start3A_629 = arith.constant 0 : i32
      %dma_start3A_630 = tpu.memref_slice %arg4[%add3A_4, %dma_start3A_628, %dma_start3A_629] : memref<96x257x577xf32, #tpu.memory_space<hbm>> -> memref<1x81x577xf32, #tpu.memory_space<hbm>>
      %dma_start3A_631 = tpu.memref_squeeze %dma_start3A_630 : memref<1x81x577xf32, #tpu.memory_space<hbm>> -> memref<81x577xf32, #tpu.memory_space<hbm>>
      %dma_start3A_632 = arith.constant 176 : i32
      %dma_start3A_633 = arith.constant 0 : i32
      %dma_start3A_634 = tpu.memref_slice %arg4[%add3A_4, %dma_start3A_632, %dma_start3A_633] : memref<96x257x577xf32, #tpu.memory_space<hbm>> -> memref<1x81x577xf32, #tpu.memory_space<hbm>>
      %dma_start3A_635 = tpu.memref_squeeze %dma_start3A_634 : memref<1x81x577xf32, #tpu.memory_space<hbm>> -> memref<81x577xf32, #tpu.memory_space<hbm>>
      tpu.enqueue_dma source(%arg7 : memref<81x577xf32, #tpu.memory_space<vmem>>) target(%dma_start3A_635 : memref<81x577xf32, #tpu.memory_space<hbm>>) target_semaphore(%run_scoped3A : memref<!tpu.dma_semaphore, #tpu.memory_space<semaphore_mem>>)
      %dma_wait3A_636 = arith.constant 176 : i32
      %dma_wait3A_637 = arith.constant 0 : i32
      %dma_wait3A_638 = tpu.memref_slice %arg4[%add3A_4, %dma_wait3A_636, %dma_wait3A_637] : memref<96x257x577xf32, #tpu.memory_space<hbm>> -> memref<1x81x577xf32, #tpu.memory_space<hbm>>
      %dma_wait3A_639 = tpu.memref_squeeze %dma_wait3A_638 : memref<1x81x577xf32, #tpu.memory_space<hbm>> -> memref<81x577xf32, #tpu.memory_space<hbm>>
      %dma_wait3A_640 = arith.constant 176 : i32
      %dma_wait3A_641 = arith.constant 0 : i32
      %dma_wait3A_642 = tpu.memref_slice %arg4[%add3A_4, %dma_wait3A_640, %dma_wait3A_641] : memref<96x257x577xf32, #tpu.memory_space<hbm>> -> memref<1x81x577xf32, #tpu.memory_space<hbm>>
      %dma_wait3A_643 = tpu.memref_squeeze %dma_wait3A_642 : memref<1x81x577xf32, #tpu.memory_space<hbm>> -> memref<81x577xf32, #tpu.memory_space<hbm>>
      tpu.wait_dma2 semaphore(%run_scoped3A : memref<!tpu.dma_semaphore, #tpu.memory_space<semaphore_mem>>) src(%arg7 : memref<81x577xf32, #tpu.memory_space<vmem>>) dst(%dma_wait3A_643 : memref<81x577xf32, #tpu.memory_space<hbm>>)
      tpu.yield
    }) : () -> ()
    %mul3A_202 = arith.constant 3 : i32
    %mul3A_203 = arith.muli %add3A, %mul3A_202 : i32
    %add3A_204 = arith.constant 1 : i32
    %add3A_205 = arith.addi %mul3A_203, %add3A_204 : i32
    %jit3A_206 = arith.constant 12 : i32
    %div3A_207 = arith.divsi %add3A_205, %jit3A_206 : i32
    %sign3A_208 = arith.constant 0 : i32
    %sign3A_209 = arith.cmpi sgt, %add3A_205, %sign3A_208 : i32
    %sign3A_210 = arith.extui %sign3A_209 : i1 to i32
    %sign3A_211 = arith.constant 0 : i32
    %sign3A_212 = arith.cmpi slt, %add3A_205, %sign3A_211 : i32
    %sign3A_213 = arith.extui %sign3A_212 : i1 to i32
    %sign3A_214 = arith.subi %sign3A_210, %sign3A_213 : i32
    %sign3A_215 = arith.constant 0 : i32
    %sign3A_216 = arith.cmpi sgt, %jit3A_206, %sign3A_215 : i32
    %sign3A_217 = arith.extui %sign3A_216 : i1 to i32
    %sign3A_218 = arith.constant 0 : i32
    %sign3A_219 = arith.cmpi slt, %jit3A_206, %sign3A_218 : i32
    %sign3A_220 = arith.extui %sign3A_219 : i1 to i32
    %sign3A_221 = arith.subi %sign3A_217, %sign3A_220 : i32
    %ne3A_222 = arith.cmpi ne, %sign3A_214, %sign3A_221 : i32
    %rem3A_223 = arith.remsi %add3A_205, %jit3A_206 : i32
    %ne3A_224 = arith.constant 0 : i32
    %ne3A_225 = arith.cmpi ne, %rem3A_223, %ne3A_224 : i32
    %and3A_226 = arith.andi %ne3A_222, %ne3A_225 : i1
    %sub3A_227 = arith.constant 1 : i32
    %sub3A_228 = arith.subi %div3A_207, %sub3A_227 : i32
    %select_n3A_229 = arith.select %and3A_226, %sub3A_228, %div3A_207 : i32
    "tpu.region"() ({
      %run_scoped3A = tpu.sem_alloc : memref<!tpu.dma_semaphore, #tpu.memory_space<semaphore_mem>>
      %dma_start3A_628 = arith.constant 0 : i32
      %dma_start3A_629 = tpu.memref_slice %arg3[%select_n3A_229, %dma_start3A_628] : memref<8x272xi32, #tpu.memory_space<hbm>> -> memref<1x272xi32, #tpu.memory_space<hbm>>
      %dma_start3A_630 = tpu.memref_squeeze %dma_start3A_629 : memref<1x272xi32, #tpu.memory_space<hbm>> -> memref<272xi32, #tpu.memory_space<hbm>>
      %dma_start3A_631 = arith.constant 0 : i32
      %dma_start3A_632 = tpu.memref_slice %arg3[%select_n3A_229, %dma_start3A_631] : memref<8x272xi32, #tpu.memory_space<hbm>> -> memref<1x272xi32, #tpu.memory_space<hbm>>
      %dma_start3A_633 = tpu.memref_squeeze %dma_start3A_632 : memref<1x272xi32, #tpu.memory_space<hbm>> -> memref<272xi32, #tpu.memory_space<hbm>>
      tpu.enqueue_dma source(%dma_start3A_633 : memref<272xi32, #tpu.memory_space<hbm>>) target(%arg5 : memref<272xi32, #tpu.memory_space<vmem>>) target_semaphore(%run_scoped3A : memref<!tpu.dma_semaphore, #tpu.memory_space<semaphore_mem>>)
      %dma_wait3A_634 = arith.constant 0 : i32
      %dma_wait3A_635 = tpu.memref_slice %arg3[%select_n3A_229, %dma_wait3A_634] : memref<8x272xi32, #tpu.memory_space<hbm>> -> memref<1x272xi32, #tpu.memory_space<hbm>>
      %dma_wait3A_636 = tpu.memref_squeeze %dma_wait3A_635 : memref<1x272xi32, #tpu.memory_space<hbm>> -> memref<272xi32, #tpu.memory_space<hbm>>
      %dma_wait3A_637 = arith.constant 0 : i32
      %dma_wait3A_638 = tpu.memref_slice %arg3[%select_n3A_229, %dma_wait3A_637] : memref<8x272xi32, #tpu.memory_space<hbm>> -> memref<1x272xi32, #tpu.memory_space<hbm>>
      %dma_wait3A_639 = tpu.memref_squeeze %dma_wait3A_638 : memref<1x272xi32, #tpu.memory_space<hbm>> -> memref<272xi32, #tpu.memory_space<hbm>>
      tpu.wait_dma2 semaphore(%run_scoped3A : memref<!tpu.dma_semaphore, #tpu.memory_space<semaphore_mem>>) src(%dma_wait3A_639 : memref<272xi32, #tpu.memory_space<hbm>>) dst(%arg5 : memref<272xi32, #tpu.memory_space<vmem>>)
      tpu.yield
    }) : () -> ()
    %mul3A_230 = arith.constant 577 : i32
    %mul3A_231 = arith.muli %add3A_205, %mul3A_230 : i32
    %get3A_232 = arith.constant 0 : index
    %get3A_233 = tpu.vector_load %arg5[%get3A_232] {strides = array<i32>} : memref<272xi32, #tpu.memory_space<vmem>>, vector<16xi32>,
    %get3A_234 = vector.shape_cast %get3A_233 : vector<16xi32> to vector<16xi32>
    %add3A_235 = vector.broadcast %mul3A_231 : i32 to vector<16xi32>
    %add3A_236 = arith.addi %get3A_234, %add3A_235 : vector<16xi32>
    %swap3A_237 = arith.constant 0 : index
    %swap3A_238 = tpu.vector_load %arg5[%swap3A_237] {strides = array<i32>} : memref<272xi32, #tpu.memory_space<vmem>>, vector<16xi32>,
    %swap3A_239 = vector.shape_cast %swap3A_238 : vector<16xi32> to vector<16xi32>
    %swap3A_240 = vector.shape_cast %add3A_236 : vector<16xi32> to vector<16xi32>
    tpu.vector_store %arg5[%swap3A_237], %swap3A_240 {strides = array<i32>} : memref<272xi32, #tpu.memory_space<vmem>>, vector<16xi32>,
    %get3A_241 = arith.constant 16 : index
    %get3A_242 = tpu.vector_load %arg5[%get3A_241] {strides = array<i32>} : memref<272xi32, #tpu.memory_space<vmem>>, vector<16xi32>,
    %get3A_243 = vector.shape_cast %get3A_242 : vector<16xi32> to vector<16xi32>
    %add3A_244 = vector.broadcast %mul3A_231 : i32 to vector<16xi32>
    %add3A_245 = arith.addi %get3A_243, %add3A_244 : vector<16xi32>
    %swap3A_246 = arith.constant 16 : index
    %swap3A_247 = tpu.vector_load %arg5[%swap3A_246] {strides = array<i32>} : memref<272xi32, #tpu.memory_space<vmem>>, vector<16xi32>,
    %swap3A_248 = vector.shape_cast %swap3A_247 : vector<16xi32> to vector<16xi32>
    %swap3A_249 = vector.shape_cast %add3A_245 : vector<16xi32> to vector<16xi32>
    tpu.vector_store %arg5[%swap3A_246], %swap3A_249 {strides = array<i32>} : memref<272xi32, #tpu.memory_space<vmem>>, vector<16xi32>,
    %get3A_250 = arith.constant 32 : index
    %get3A_251 = tpu.vector_load %arg5[%get3A_250] {strides = array<i32>} : memref<272xi32, #tpu.memory_space<vmem>>, vector<16xi32>,
    %get3A_252 = vector.shape_cast %get3A_251 : vector<16xi32> to vector<16xi32>
    %add3A_253 = vector.broadcast %mul3A_231 : i32 to vector<16xi32>
    %add3A_254 = arith.addi %get3A_252, %add3A_253 : vector<16xi32>
    %swap3A_255 = arith.constant 32 : index
    %swap3A_256 = tpu.vector_load %arg5[%swap3A_255] {strides = array<i32>} : memref<272xi32, #tpu.memory_space<vmem>>, vector<16xi32>,
    %swap3A_257 = vector.shape_cast %swap3A_256 : vector<16xi32> to vector<16xi32>
    %swap3A_258 = vector.shape_cast %add3A_254 : vector<16xi32> to vector<16xi32>
    tpu.vector_store %arg5[%swap3A_255], %swap3A_258 {strides = array<i32>} : memref<272xi32, #tpu.memory_space<vmem>>, vector<16xi32>,
    %get3A_259 = arith.constant 48 : index
    %get3A_260 = tpu.vector_load %arg5[%get3A_259] {strides = array<i32>} : memref<272xi32, #tpu.memory_space<vmem>>, vector<16xi32>,
    %get3A_261 = vector.shape_cast %get3A_260 : vector<16xi32> to vector<16xi32>
    %add3A_262 = vector.broadcast %mul3A_231 : i32 to vector<16xi32>
    %add3A_263 = arith.addi %get3A_261, %add3A_262 : vector<16xi32>
    %swap3A_264 = arith.constant 48 : index
    %swap3A_265 = tpu.vector_load %arg5[%swap3A_264] {strides = array<i32>} : memref<272xi32, #tpu.memory_space<vmem>>, vector<16xi32>,
    %swap3A_266 = vector.shape_cast %swap3A_265 : vector<16xi32> to vector<16xi32>
    %swap3A_267 = vector.shape_cast %add3A_263 : vector<16xi32> to vector<16xi32>
    tpu.vector_store %arg5[%swap3A_264], %swap3A_267 {strides = array<i32>} : memref<272xi32, #tpu.memory_space<vmem>>, vector<16xi32>,
    %get3A_268 = arith.constant 64 : index
    %get3A_269 = tpu.vector_load %arg5[%get3A_268] {strides = array<i32>} : memref<272xi32, #tpu.memory_space<vmem>>, vector<16xi32>,
    %get3A_270 = vector.shape_cast %get3A_269 : vector<16xi32> to vector<16xi32>
    %add3A_271 = vector.broadcast %mul3A_231 : i32 to vector<16xi32>
    %add3A_272 = arith.addi %get3A_270, %add3A_271 : vector<16xi32>
    %swap3A_273 = arith.constant 64 : index
    %swap3A_274 = tpu.vector_load %arg5[%swap3A_273] {strides = array<i32>} : memref<272xi32, #tpu.memory_space<vmem>>, vector<16xi32>,
    %swap3A_275 = vector.shape_cast %swap3A_274 : vector<16xi32> to vector<16xi32>
    %swap3A_276 = vector.shape_cast %add3A_272 : vector<16xi32> to vector<16xi32>
    tpu.vector_store %arg5[%swap3A_273], %swap3A_276 {strides = array<i32>} : memref<272xi32, #tpu.memory_space<vmem>>, vector<16xi32>,
    %get3A_277 = arith.constant 80 : index
    %get3A_278 = tpu.vector_load %arg5[%get3A_277] {strides = array<i32>} : memref<272xi32, #tpu.memory_space<vmem>>, vector<16xi32>,
    %get3A_279 = vector.shape_cast %get3A_278 : vector<16xi32> to vector<16xi32>
    %add3A_280 = vector.broadcast %mul3A_231 : i32 to vector<16xi32>
    %add3A_281 = arith.addi %get3A_279, %add3A_280 : vector<16xi32>
    %swap3A_282 = arith.constant 80 : index
    %swap3A_283 = tpu.vector_load %arg5[%swap3A_282] {strides = array<i32>} : memref<272xi32, #tpu.memory_space<vmem>>, vector<16xi32>,
    %swap3A_284 = vector.shape_cast %swap3A_283 : vector<16xi32> to vector<16xi32>
    %swap3A_285 = vector.shape_cast %add3A_281 : vector<16xi32> to vector<16xi32>
    tpu.vector_store %arg5[%swap3A_282], %swap3A_285 {strides = array<i32>} : memref<272xi32, #tpu.memory_space<vmem>>, vector<16xi32>,
    %get3A_286 = arith.constant 96 : index
    %get3A_287 = tpu.vector_load %arg5[%get3A_286] {strides = array<i32>} : memref<272xi32, #tpu.memory_space<vmem>>, vector<16xi32>,
    %get3A_288 = vector.shape_cast %get3A_287 : vector<16xi32> to vector<16xi32>
    %add3A_289 = vector.broadcast %mul3A_231 : i32 to vector<16xi32>
    %add3A_290 = arith.addi %get3A_288, %add3A_289 : vector<16xi32>
    %swap3A_291 = arith.constant 96 : index
    %swap3A_292 = tpu.vector_load %arg5[%swap3A_291] {strides = array<i32>} : memref<272xi32, #tpu.memory_space<vmem>>, vector<16xi32>,
    %swap3A_293 = vector.shape_cast %swap3A_292 : vector<16xi32> to vector<16xi32>
    %swap3A_294 = vector.shape_cast %add3A_290 : vector<16xi32> to vector<16xi32>
    tpu.vector_store %arg5[%swap3A_291], %swap3A_294 {strides = array<i32>} : memref<272xi32, #tpu.memory_space<vmem>>, vector<16xi32>,
    %get3A_295 = arith.constant 112 : index
    %get3A_296 = tpu.vector_load %arg5[%get3A_295] {strides = array<i32>} : memref<272xi32, #tpu.memory_space<vmem>>, vector<16xi32>,
    %get3A_297 = vector.shape_cast %get3A_296 : vector<16xi32> to vector<16xi32>
    %add3A_298 = vector.broadcast %mul3A_231 : i32 to vector<16xi32>
    %add3A_299 = arith.addi %get3A_297, %add3A_298 : vector<16xi32>
    %swap3A_300 = arith.constant 112 : index
    %swap3A_301 = tpu.vector_load %arg5[%swap3A_300] {strides = array<i32>} : memref<272xi32, #tpu.memory_space<vmem>>, vector<16xi32>,
    %swap3A_302 = vector.shape_cast %swap3A_301 : vector<16xi32> to vector<16xi32>
    %swap3A_303 = vector.shape_cast %add3A_299 : vector<16xi32> to vector<16xi32>
    tpu.vector_store %arg5[%swap3A_300], %swap3A_303 {strides = array<i32>} : memref<272xi32, #tpu.memory_space<vmem>>, vector<16xi32>,
    %get3A_304 = arith.constant 128 : index
    %get3A_305 = tpu.vector_load %arg5[%get3A_304] {strides = array<i32>} : memref<272xi32, #tpu.memory_space<vmem>>, vector<16xi32>,
    %get3A_306 = vector.shape_cast %get3A_305 : vector<16xi32> to vector<16xi32>
    %add3A_307 = vector.broadcast %mul3A_231 : i32 to vector<16xi32>
    %add3A_308 = arith.addi %get3A_306, %add3A_307 : vector<16xi32>
    %swap3A_309 = arith.constant 128 : index
    %swap3A_310 = tpu.vector_load %arg5[%swap3A_309] {strides = array<i32>} : memref<272xi32, #tpu.memory_space<vmem>>, vector<16xi32>,
    %swap3A_311 = vector.shape_cast %swap3A_310 : vector<16xi32> to vector<16xi32>
    %swap3A_312 = vector.shape_cast %add3A_308 : vector<16xi32> to vector<16xi32>
    tpu.vector_store %arg5[%swap3A_309], %swap3A_312 {strides = array<i32>} : memref<272xi32, #tpu.memory_space<vmem>>, vector<16xi32>,
    %get3A_313 = arith.constant 144 : index
    %get3A_314 = tpu.vector_load %arg5[%get3A_313] {strides = array<i32>} : memref<272xi32, #tpu.memory_space<vmem>>, vector<16xi32>,
    %get3A_315 = vector.shape_cast %get3A_314 : vector<16xi32> to vector<16xi32>
    %add3A_316 = vector.broadcast %mul3A_231 : i32 to vector<16xi32>
    %add3A_317 = arith.addi %get3A_315, %add3A_316 : vector<16xi32>
    %swap3A_318 = arith.constant 144 : index
    %swap3A_319 = tpu.vector_load %arg5[%swap3A_318] {strides = array<i32>} : memref<272xi32, #tpu.memory_space<vmem>>, vector<16xi32>,
    %swap3A_320 = vector.shape_cast %swap3A_319 : vector<16xi32> to vector<16xi32>
    %swap3A_321 = vector.shape_cast %add3A_317 : vector<16xi32> to vector<16xi32>
    tpu.vector_store %arg5[%swap3A_318], %swap3A_321 {strides = array<i32>} : memref<272xi32, #tpu.memory_space<vmem>>, vector<16xi32>,
    %get3A_322 = arith.constant 160 : index
    %get3A_323 = tpu.vector_load %arg5[%get3A_322] {strides = array<i32>} : memref<272xi32, #tpu.memory_space<vmem>>, vector<16xi32>,
    %get3A_324 = vector.shape_cast %get3A_323 : vector<16xi32> to vector<16xi32>
    %add3A_325 = vector.broadcast %mul3A_231 : i32 to vector<16xi32>
    %add3A_326 = arith.addi %get3A_324, %add3A_325 : vector<16xi32>
    %swap3A_327 = arith.constant 160 : index
    %swap3A_328 = tpu.vector_load %arg5[%swap3A_327] {strides = array<i32>} : memref<272xi32, #tpu.memory_space<vmem>>, vector<16xi32>,
    %swap3A_329 = vector.shape_cast %swap3A_328 : vector<16xi32> to vector<16xi32>
    %swap3A_330 = vector.shape_cast %add3A_326 : vector<16xi32> to vector<16xi32>
    tpu.vector_store %arg5[%swap3A_327], %swap3A_330 {strides = array<i32>} : memref<272xi32, #tpu.memory_space<vmem>>, vector<16xi32>,
    %get3A_331 = arith.constant 176 : index
    %get3A_332 = tpu.vector_load %arg5[%get3A_331] {strides = array<i32>} : memref<272xi32, #tpu.memory_space<vmem>>, vector<16xi32>,
    %get3A_333 = vector.shape_cast %get3A_332 : vector<16xi32> to vector<16xi32>
    %add3A_334 = vector.broadcast %mul3A_231 : i32 to vector<16xi32>
    %add3A_335 = arith.addi %get3A_333, %add3A_334 : vector<16xi32>
    %swap3A_336 = arith.constant 176 : index
    %swap3A_337 = tpu.vector_load %arg5[%swap3A_336] {strides = array<i32>} : memref<272xi32, #tpu.memory_space<vmem>>, vector<16xi32>,
    %swap3A_338 = vector.shape_cast %swap3A_337 : vector<16xi32> to vector<16xi32>
    %swap3A_339 = vector.shape_cast %add3A_335 : vector<16xi32> to vector<16xi32>
    tpu.vector_store %arg5[%swap3A_336], %swap3A_339 {strides = array<i32>} : memref<272xi32, #tpu.memory_space<vmem>>, vector<16xi32>,
    %get3A_340 = arith.constant 192 : index
    %get3A_341 = tpu.vector_load %arg5[%get3A_340] {strides = array<i32>} : memref<272xi32, #tpu.memory_space<vmem>>, vector<16xi32>,
    %get3A_342 = vector.shape_cast %get3A_341 : vector<16xi32> to vector<16xi32>
    %add3A_343 = vector.broadcast %mul3A_231 : i32 to vector<16xi32>
    %add3A_344 = arith.addi %get3A_342, %add3A_343 : vector<16xi32>
    %swap3A_345 = arith.constant 192 : index
    %swap3A_346 = tpu.vector_load %arg5[%swap3A_345] {strides = array<i32>} : memref<272xi32, #tpu.memory_space<vmem>>, vector<16xi32>,
    %swap3A_347 = vector.shape_cast %swap3A_346 : vector<16xi32> to vector<16xi32>
    %swap3A_348 = vector.shape_cast %add3A_344 : vector<16xi32> to vector<16xi32>
    tpu.vector_store %arg5[%swap3A_345], %swap3A_348 {strides = array<i32>} : memref<272xi32, #tpu.memory_space<vmem>>, vector<16xi32>,
    %get3A_349 = arith.constant 208 : index
    %get3A_350 = tpu.vector_load %arg5[%get3A_349] {strides = array<i32>} : memref<272xi32, #tpu.memory_space<vmem>>, vector<16xi32>,
    %get3A_351 = vector.shape_cast %get3A_350 : vector<16xi32> to vector<16xi32>
    %add3A_352 = vector.broadcast %mul3A_231 : i32 to vector<16xi32>
    %add3A_353 = arith.addi %get3A_351, %add3A_352 : vector<16xi32>
    %swap3A_354 = arith.constant 208 : index
    %swap3A_355 = tpu.vector_load %arg5[%swap3A_354] {strides = array<i32>} : memref<272xi32, #tpu.memory_space<vmem>>, vector<16xi32>,
    %swap3A_356 = vector.shape_cast %swap3A_355 : vector<16xi32> to vector<16xi32>
    %swap3A_357 = vector.shape_cast %add3A_353 : vector<16xi32> to vector<16xi32>
    tpu.vector_store %arg5[%swap3A_354], %swap3A_357 {strides = array<i32>} : memref<272xi32, #tpu.memory_space<vmem>>, vector<16xi32>,
    %get3A_358 = arith.constant 224 : index
    %get3A_359 = tpu.vector_load %arg5[%get3A_358] {strides = array<i32>} : memref<272xi32, #tpu.memory_space<vmem>>, vector<16xi32>,
    %get3A_360 = vector.shape_cast %get3A_359 : vector<16xi32> to vector<16xi32>
    %add3A_361 = vector.broadcast %mul3A_231 : i32 to vector<16xi32>
    %add3A_362 = arith.addi %get3A_360, %add3A_361 : vector<16xi32>
    %swap3A_363 = arith.constant 224 : index
    %swap3A_364 = tpu.vector_load %arg5[%swap3A_363] {strides = array<i32>} : memref<272xi32, #tpu.memory_space<vmem>>, vector<16xi32>,
    %swap3A_365 = vector.shape_cast %swap3A_364 : vector<16xi32> to vector<16xi32>
    %swap3A_366 = vector.shape_cast %add3A_362 : vector<16xi32> to vector<16xi32>
    tpu.vector_store %arg5[%swap3A_363], %swap3A_366 {strides = array<i32>} : memref<272xi32, #tpu.memory_space<vmem>>, vector<16xi32>,
    %get3A_367 = arith.constant 240 : index
    %get3A_368 = tpu.vector_load %arg5[%get3A_367] {strides = array<i32>} : memref<272xi32, #tpu.memory_space<vmem>>, vector<16xi32>,
    %get3A_369 = vector.shape_cast %get3A_368 : vector<16xi32> to vector<16xi32>
    %add3A_370 = vector.broadcast %mul3A_231 : i32 to vector<16xi32>
    %add3A_371 = arith.addi %get3A_369, %add3A_370 : vector<16xi32>
    %swap3A_372 = arith.constant 240 : index
    %swap3A_373 = tpu.vector_load %arg5[%swap3A_372] {strides = array<i32>} : memref<272xi32, #tpu.memory_space<vmem>>, vector<16xi32>,
    %swap3A_374 = vector.shape_cast %swap3A_373 : vector<16xi32> to vector<16xi32>
    %swap3A_375 = vector.shape_cast %add3A_371 : vector<16xi32> to vector<16xi32>
    tpu.vector_store %arg5[%swap3A_372], %swap3A_375 {strides = array<i32>} : memref<272xi32, #tpu.memory_space<vmem>>, vector<16xi32>,
    %get3A_376 = arith.constant 256 : index
    %get3A_377 = tpu.vector_load %arg5[%get3A_376] {strides = array<i32>} : memref<272xi32, #tpu.memory_space<vmem>>, vector<16xi32>,
    %get3A_378 = vector.shape_cast %get3A_377 : vector<16xi32> to vector<16xi32>
    %add3A_379 = vector.broadcast %mul3A_231 : i32 to vector<16xi32>
    %add3A_380 = arith.addi %get3A_378, %add3A_379 : vector<16xi32>
    %swap3A_381 = arith.constant 256 : index
    %swap3A_382 = tpu.vector_load %arg5[%swap3A_381] {strides = array<i32>} : memref<272xi32, #tpu.memory_space<vmem>>, vector<16xi32>,
    %swap3A_383 = vector.shape_cast %swap3A_382 : vector<16xi32> to vector<16xi32>
    %swap3A_384 = vector.shape_cast %add3A_380 : vector<16xi32> to vector<16xi32>
    tpu.vector_store %arg5[%swap3A_381], %swap3A_384 {strides = array<i32>} : memref<272xi32, #tpu.memory_space<vmem>>, vector<16xi32>,
    %dma_start3A_385 = arith.constant 0 : i32
    %dma_start3A_386 = tpu.memref_slice %arg5[%dma_start3A_385] : memref<272xi32, #tpu.memory_space<vmem>> -> memref<88xi32, #tpu.memory_space<vmem>>
    %dma_start3A_387 = arith.constant 0 : i32
    %dma_start3A_388 = arith.constant 0 : i32
    %dma_start3A_389 = tpu.memref_slice %arg2[%dma_start3A_387, %dma_start3A_388] : memref<55392x577xf32, #tpu.memory_space<hbm>> -> memref<55392x577xf32, #tpu.memory_space<hbm>>
    tpu.enqueue_indirect_dma source(%dma_start3A_389 : memref<55392x577xf32, #tpu.memory_space<hbm>>) target(%arg6 : memref<88x577xf32, #tpu.memory_space<vmem>>) offsets(%dma_start3A_386 : memref<88xi32, #tpu.memory_space<vmem>>) semaphore(%arg8 : memref<!tpu.dma_semaphore, #tpu.memory_space<semaphore_mem>>)
    %dma_wait3A_390 = arith.constant 0 : i32
    %dma_wait3A_391 = tpu.memref_slice %arg5[%dma_wait3A_390] : memref<272xi32, #tpu.memory_space<vmem>> -> memref<88xi32, #tpu.memory_space<vmem>>
    %dma_wait3A_392 = arith.constant 0 : i32
    %dma_wait3A_393 = arith.constant 0 : i32
    %dma_wait3A_394 = tpu.memref_slice %arg2[%dma_wait3A_392, %dma_wait3A_393] : memref<55392x577xf32, #tpu.memory_space<hbm>> -> memref<55392x577xf32, #tpu.memory_space<hbm>>
    tpu.wait_indirect_dma semaphore(%arg8 : memref<!tpu.dma_semaphore, #tpu.memory_space<semaphore_mem>>) src(%dma_wait3A_394 : memref<55392x577xf32, #tpu.memory_space<hbm>>) dst(%arg6 : memref<88x577xf32, #tpu.memory_space<vmem>>)
    "tpu.region"() ({
      %run_scoped3A = tpu.sem_alloc : memref<!tpu.dma_semaphore, #tpu.memory_space<semaphore_mem>>
      %dma_start3A_628 = arith.constant 0 : i32
      %dma_start3A_629 = arith.constant 0 : i32
      %dma_start3A_630 = tpu.memref_slice %arg4[%add3A_205, %dma_start3A_628, %dma_start3A_629] : memref<96x257x577xf32, #tpu.memory_space<hbm>> -> memref<1x88x577xf32, #tpu.memory_space<hbm>>
      %dma_start3A_631 = tpu.memref_squeeze %dma_start3A_630 : memref<1x88x577xf32, #tpu.memory_space<hbm>> -> memref<88x577xf32, #tpu.memory_space<hbm>>
      %dma_start3A_632 = arith.constant 0 : i32
      %dma_start3A_633 = arith.constant 0 : i32
      %dma_start3A_634 = tpu.memref_slice %arg4[%add3A_205, %dma_start3A_632, %dma_start3A_633] : memref<96x257x577xf32, #tpu.memory_space<hbm>> -> memref<1x88x577xf32, #tpu.memory_space<hbm>>
      %dma_start3A_635 = tpu.memref_squeeze %dma_start3A_634 : memref<1x88x577xf32, #tpu.memory_space<hbm>> -> memref<88x577xf32, #tpu.memory_space<hbm>>
      tpu.enqueue_dma source(%arg6 : memref<88x577xf32, #tpu.memory_space<vmem>>) target(%dma_start3A_635 : memref<88x577xf32, #tpu.memory_space<hbm>>) target_semaphore(%run_scoped3A : memref<!tpu.dma_semaphore, #tpu.memory_space<semaphore_mem>>)
      %dma_wait3A_636 = arith.constant 0 : i32
      %dma_wait3A_637 = arith.constant 0 : i32
      %dma_wait3A_638 = tpu.memref_slice %arg4[%add3A_205, %dma_wait3A_636, %dma_wait3A_637] : memref<96x257x577xf32, #tpu.memory_space<hbm>> -> memref<1x88x577xf32, #tpu.memory_space<hbm>>
      %dma_wait3A_639 = tpu.memref_squeeze %dma_wait3A_638 : memref<1x88x577xf32, #tpu.memory_space<hbm>> -> memref<88x577xf32, #tpu.memory_space<hbm>>
      %dma_wait3A_640 = arith.constant 0 : i32
      %dma_wait3A_641 = arith.constant 0 : i32
      %dma_wait3A_642 = tpu.memref_slice %arg4[%add3A_205, %dma_wait3A_640, %dma_wait3A_641] : memref<96x257x577xf32, #tpu.memory_space<hbm>> -> memref<1x88x577xf32, #tpu.memory_space<hbm>>
      %dma_wait3A_643 = tpu.memref_squeeze %dma_wait3A_642 : memref<1x88x577xf32, #tpu.memory_space<hbm>> -> memref<88x577xf32, #tpu.memory_space<hbm>>
      tpu.wait_dma2 semaphore(%run_scoped3A : memref<!tpu.dma_semaphore, #tpu.memory_space<semaphore_mem>>) src(%arg6 : memref<88x577xf32, #tpu.memory_space<vmem>>) dst(%dma_wait3A_643 : memref<88x577xf32, #tpu.memory_space<hbm>>)
      tpu.yield
    }) : () -> ()
    %dma_start3A_395 = arith.constant 88 : i32
    %dma_start3A_396 = tpu.memref_slice %arg5[%dma_start3A_395] : memref<272xi32, #tpu.memory_space<vmem>> -> memref<88xi32, #tpu.memory_space<vmem>>
    %dma_start3A_397 = arith.constant 0 : i32
    %dma_start3A_398 = arith.constant 0 : i32
    %dma_start3A_399 = tpu.memref_slice %arg2[%dma_start3A_397, %dma_start3A_398] : memref<55392x577xf32, #tpu.memory_space<hbm>> -> memref<55392x577xf32, #tpu.memory_space<hbm>>
    tpu.enqueue_indirect_dma source(%dma_start3A_399 : memref<55392x577xf32, #tpu.memory_space<hbm>>) target(%arg6 : memref<88x577xf32, #tpu.memory_space<vmem>>) offsets(%dma_start3A_396 : memref<88xi32, #tpu.memory_space<vmem>>) semaphore(%arg8 : memref<!tpu.dma_semaphore, #tpu.memory_space<semaphore_mem>>)
    %dma_wait3A_400 = arith.constant 88 : i32
    %dma_wait3A_401 = tpu.memref_slice %arg5[%dma_wait3A_400] : memref<272xi32, #tpu.memory_space<vmem>> -> memref<88xi32, #tpu.memory_space<vmem>>
    %dma_wait3A_402 = arith.constant 0 : i32
    %dma_wait3A_403 = arith.constant 0 : i32
    %dma_wait3A_404 = tpu.memref_slice %arg2[%dma_wait3A_402, %dma_wait3A_403] : memref<55392x577xf32, #tpu.memory_space<hbm>> -> memref<55392x577xf32, #tpu.memory_space<hbm>>
    tpu.wait_indirect_dma semaphore(%arg8 : memref<!tpu.dma_semaphore, #tpu.memory_space<semaphore_mem>>) src(%dma_wait3A_404 : memref<55392x577xf32, #tpu.memory_space<hbm>>) dst(%arg6 : memref<88x577xf32, #tpu.memory_space<vmem>>)
    "tpu.region"() ({
      %run_scoped3A = tpu.sem_alloc : memref<!tpu.dma_semaphore, #tpu.memory_space<semaphore_mem>>
      %dma_start3A_628 = arith.constant 88 : i32
      %dma_start3A_629 = arith.constant 0 : i32
      %dma_start3A_630 = tpu.memref_slice %arg4[%add3A_205, %dma_start3A_628, %dma_start3A_629] : memref<96x257x577xf32, #tpu.memory_space<hbm>> -> memref<1x88x577xf32, #tpu.memory_space<hbm>>
      %dma_start3A_631 = tpu.memref_squeeze %dma_start3A_630 : memref<1x88x577xf32, #tpu.memory_space<hbm>> -> memref<88x577xf32, #tpu.memory_space<hbm>>
      %dma_start3A_632 = arith.constant 88 : i32
      %dma_start3A_633 = arith.constant 0 : i32
      %dma_start3A_634 = tpu.memref_slice %arg4[%add3A_205, %dma_start3A_632, %dma_start3A_633] : memref<96x257x577xf32, #tpu.memory_space<hbm>> -> memref<1x88x577xf32, #tpu.memory_space<hbm>>
      %dma_start3A_635 = tpu.memref_squeeze %dma_start3A_634 : memref<1x88x577xf32, #tpu.memory_space<hbm>> -> memref<88x577xf32, #tpu.memory_space<hbm>>
      tpu.enqueue_dma source(%arg6 : memref<88x577xf32, #tpu.memory_space<vmem>>) target(%dma_start3A_635 : memref<88x577xf32, #tpu.memory_space<hbm>>) target_semaphore(%run_scoped3A : memref<!tpu.dma_semaphore, #tpu.memory_space<semaphore_mem>>)
      %dma_wait3A_636 = arith.constant 88 : i32
      %dma_wait3A_637 = arith.constant 0 : i32
      %dma_wait3A_638 = tpu.memref_slice %arg4[%add3A_205, %dma_wait3A_636, %dma_wait3A_637] : memref<96x257x577xf32, #tpu.memory_space<hbm>> -> memref<1x88x577xf32, #tpu.memory_space<hbm>>
      %dma_wait3A_639 = tpu.memref_squeeze %dma_wait3A_638 : memref<1x88x577xf32, #tpu.memory_space<hbm>> -> memref<88x577xf32, #tpu.memory_space<hbm>>
      %dma_wait3A_640 = arith.constant 88 : i32
      %dma_wait3A_641 = arith.constant 0 : i32
      %dma_wait3A_642 = tpu.memref_slice %arg4[%add3A_205, %dma_wait3A_640, %dma_wait3A_641] : memref<96x257x577xf32, #tpu.memory_space<hbm>> -> memref<1x88x577xf32, #tpu.memory_space<hbm>>
      %dma_wait3A_643 = tpu.memref_squeeze %dma_wait3A_642 : memref<1x88x577xf32, #tpu.memory_space<hbm>> -> memref<88x577xf32, #tpu.memory_space<hbm>>
      tpu.wait_dma2 semaphore(%run_scoped3A : memref<!tpu.dma_semaphore, #tpu.memory_space<semaphore_mem>>) src(%arg6 : memref<88x577xf32, #tpu.memory_space<vmem>>) dst(%dma_wait3A_643 : memref<88x577xf32, #tpu.memory_space<hbm>>)
      tpu.yield
    }) : () -> ()
    %dma_start3A_405 = arith.constant 176 : i32
    %dma_start3A_406 = tpu.memref_slice %arg5[%dma_start3A_405] : memref<272xi32, #tpu.memory_space<vmem>> -> memref<81xi32, #tpu.memory_space<vmem>>
    %dma_start3A_407 = arith.constant 0 : i32
    %dma_start3A_408 = arith.constant 0 : i32
    %dma_start3A_409 = tpu.memref_slice %arg2[%dma_start3A_407, %dma_start3A_408] : memref<55392x577xf32, #tpu.memory_space<hbm>> -> memref<55392x577xf32, #tpu.memory_space<hbm>>
    tpu.enqueue_indirect_dma source(%dma_start3A_409 : memref<55392x577xf32, #tpu.memory_space<hbm>>) target(%arg7 : memref<81x577xf32, #tpu.memory_space<vmem>>) offsets(%dma_start3A_406 : memref<81xi32, #tpu.memory_space<vmem>>) semaphore(%arg8 : memref<!tpu.dma_semaphore, #tpu.memory_space<semaphore_mem>>)
    %dma_wait3A_410 = arith.constant 176 : i32
    %dma_wait3A_411 = tpu.memref_slice %arg5[%dma_wait3A_410] : memref<272xi32, #tpu.memory_space<vmem>> -> memref<81xi32, #tpu.memory_space<vmem>>
    %dma_wait3A_412 = arith.constant 0 : i32
    %dma_wait3A_413 = arith.constant 0 : i32
    %dma_wait3A_414 = tpu.memref_slice %arg2[%dma_wait3A_412, %dma_wait3A_413] : memref<55392x577xf32, #tpu.memory_space<hbm>> -> memref<55392x577xf32, #tpu.memory_space<hbm>>
    tpu.wait_indirect_dma semaphore(%arg8 : memref<!tpu.dma_semaphore, #tpu.memory_space<semaphore_mem>>) src(%dma_wait3A_414 : memref<55392x577xf32, #tpu.memory_space<hbm>>) dst(%arg7 : memref<81x577xf32, #tpu.memory_space<vmem>>)
    "tpu.region"() ({
      %run_scoped3A = tpu.sem_alloc : memref<!tpu.dma_semaphore, #tpu.memory_space<semaphore_mem>>
      %dma_start3A_628 = arith.constant 176 : i32
      %dma_start3A_629 = arith.constant 0 : i32
      %dma_start3A_630 = tpu.memref_slice %arg4[%add3A_205, %dma_start3A_628, %dma_start3A_629] : memref<96x257x577xf32, #tpu.memory_space<hbm>> -> memref<1x81x577xf32, #tpu.memory_space<hbm>>
      %dma_start3A_631 = tpu.memref_squeeze %dma_start3A_630 : memref<1x81x577xf32, #tpu.memory_space<hbm>> -> memref<81x577xf32, #tpu.memory_space<hbm>>
      %dma_start3A_632 = arith.constant 176 : i32
      %dma_start3A_633 = arith.constant 0 : i32
      %dma_start3A_634 = tpu.memref_slice %arg4[%add3A_205, %dma_start3A_632, %dma_start3A_633] : memref<96x257x577xf32, #tpu.memory_space<hbm>> -> memref<1x81x577xf32, #tpu.memory_space<hbm>>
      %dma_start3A_635 = tpu.memref_squeeze %dma_start3A_634 : memref<1x81x577xf32, #tpu.memory_space<hbm>> -> memref<81x577xf32, #tpu.memory_space<hbm>>
      tpu.enqueue_dma source(%arg7 : memref<81x577xf32, #tpu.memory_space<vmem>>) target(%dma_start3A_635 : memref<81x577xf32, #tpu.memory_space<hbm>>) target_semaphore(%run_scoped3A : memref<!tpu.dma_semaphore, #tpu.memory_space<semaphore_mem>>)
      %dma_wait3A_636 = arith.constant 176 : i32
      %dma_wait3A_637 = arith.constant 0 : i32
      %dma_wait3A_638 = tpu.memref_slice %arg4[%add3A_205, %dma_wait3A_636, %dma_wait3A_637] : memref<96x257x577xf32, #tpu.memory_space<hbm>> -> memref<1x81x577xf32, #tpu.memory_space<hbm>>
      %dma_wait3A_639 = tpu.memref_squeeze %dma_wait3A_638 : memref<1x81x577xf32, #tpu.memory_space<hbm>> -> memref<81x577xf32, #tpu.memory_space<hbm>>
      %dma_wait3A_640 = arith.constant 176 : i32
      %dma_wait3A_641 = arith.constant 0 : i32
      %dma_wait3A_642 = tpu.memref_slice %arg4[%add3A_205, %dma_wait3A_640, %dma_wait3A_641] : memref<96x257x577xf32, #tpu.memory_space<hbm>> -> memref<1x81x577xf32, #tpu.memory_space<hbm>>
      %dma_wait3A_643 = tpu.memref_squeeze %dma_wait3A_642 : memref<1x81x577xf32, #tpu.memory_space<hbm>> -> memref<81x577xf32, #tpu.memory_space<hbm>>
      tpu.wait_dma2 semaphore(%run_scoped3A : memref<!tpu.dma_semaphore, #tpu.memory_space<semaphore_mem>>) src(%arg7 : memref<81x577xf32, #tpu.memory_space<vmem>>) dst(%dma_wait3A_643 : memref<81x577xf32, #tpu.memory_space<hbm>>)
      tpu.yield
    }) : () -> ()
    %mul3A_415 = arith.constant 3 : i32
    %mul3A_416 = arith.muli %add3A, %mul3A_415 : i32
    %add3A_417 = arith.constant 2 : i32
    %add3A_418 = arith.addi %mul3A_416, %add3A_417 : i32
    %jit3A_419 = arith.constant 12 : i32
    %div3A_420 = arith.divsi %add3A_418, %jit3A_419 : i32
    %sign3A_421 = arith.constant 0 : i32
    %sign3A_422 = arith.cmpi sgt, %add3A_418, %sign3A_421 : i32
    %sign3A_423 = arith.extui %sign3A_422 : i1 to i32
    %sign3A_424 = arith.constant 0 : i32
    %sign3A_425 = arith.cmpi slt, %add3A_418, %sign3A_424 : i32
    %sign3A_426 = arith.extui %sign3A_425 : i1 to i32
    %sign3A_427 = arith.subi %sign3A_423, %sign3A_426 : i32
    %sign3A_428 = arith.constant 0 : i32
    %sign3A_429 = arith.cmpi sgt, %jit3A_419, %sign3A_428 : i32
    %sign3A_430 = arith.extui %sign3A_429 : i1 to i32
    %sign3A_431 = arith.constant 0 : i32
    %sign3A_432 = arith.cmpi slt, %jit3A_419, %sign3A_431 : i32
    %sign3A_433 = arith.extui %sign3A_432 : i1 to i32
    %sign3A_434 = arith.subi %sign3A_430, %sign3A_433 : i32
    %ne3A_435 = arith.cmpi ne, %sign3A_427, %sign3A_434 : i32
    %rem3A_436 = arith.remsi %add3A_418, %jit3A_419 : i32
    %ne3A_437 = arith.constant 0 : i32
    %ne3A_438 = arith.cmpi ne, %rem3A_436, %ne3A_437 : i32
    %and3A_439 = arith.andi %ne3A_435, %ne3A_438 : i1
    %sub3A_440 = arith.constant 1 : i32
    %sub3A_441 = arith.subi %div3A_420, %sub3A_440 : i32
    %select_n3A_442 = arith.select %and3A_439, %sub3A_441, %div3A_420 : i32
    "tpu.region"() ({
      %run_scoped3A = tpu.sem_alloc : memref<!tpu.dma_semaphore, #tpu.memory_space<semaphore_mem>>
      %dma_start3A_628 = arith.constant 0 : i32
      %dma_start3A_629 = tpu.memref_slice %arg3[%select_n3A_442, %dma_start3A_628] : memref<8x272xi32, #tpu.memory_space<hbm>> -> memref<1x272xi32, #tpu.memory_space<hbm>>
      %dma_start3A_630 = tpu.memref_squeeze %dma_start3A_629 : memref<1x272xi32, #tpu.memory_space<hbm>> -> memref<272xi32, #tpu.memory_space<hbm>>
      %dma_start3A_631 = arith.constant 0 : i32
      %dma_start3A_632 = tpu.memref_slice %arg3[%select_n3A_442, %dma_start3A_631] : memref<8x272xi32, #tpu.memory_space<hbm>> -> memref<1x272xi32, #tpu.memory_space<hbm>>
      %dma_start3A_633 = tpu.memref_squeeze %dma_start3A_632 : memref<1x272xi32, #tpu.memory_space<hbm>> -> memref<272xi32, #tpu.memory_space<hbm>>
      tpu.enqueue_dma source(%dma_start3A_633 : memref<272xi32, #tpu.memory_space<hbm>>) target(%arg5 : memref<272xi32, #tpu.memory_space<vmem>>) target_semaphore(%run_scoped3A : memref<!tpu.dma_semaphore, #tpu.memory_space<semaphore_mem>>)
      %dma_wait3A_634 = arith.constant 0 : i32
      %dma_wait3A_635 = tpu.memref_slice %arg3[%select_n3A_442, %dma_wait3A_634] : memref<8x272xi32, #tpu.memory_space<hbm>> -> memref<1x272xi32, #tpu.memory_space<hbm>>
      %dma_wait3A_636 = tpu.memref_squeeze %dma_wait3A_635 : memref<1x272xi32, #tpu.memory_space<hbm>> -> memref<272xi32, #tpu.memory_space<hbm>>
      %dma_wait3A_637 = arith.constant 0 : i32
      %dma_wait3A_638 = tpu.memref_slice %arg3[%select_n3A_442, %dma_wait3A_637] : memref<8x272xi32, #tpu.memory_space<hbm>> -> memref<1x272xi32, #tpu.memory_space<hbm>>
      %dma_wait3A_639 = tpu.memref_squeeze %dma_wait3A_638 : memref<1x272xi32, #tpu.memory_space<hbm>> -> memref<272xi32, #tpu.memory_space<hbm>>
      tpu.wait_dma2 semaphore(%run_scoped3A : memref<!tpu.dma_semaphore, #tpu.memory_space<semaphore_mem>>) src(%dma_wait3A_639 : memref<272xi32, #tpu.memory_space<hbm>>) dst(%arg5 : memref<272xi32, #tpu.memory_space<vmem>>)
      tpu.yield
    }) : () -> ()
    %mul3A_443 = arith.constant 577 : i32
    %mul3A_444 = arith.muli %add3A_418, %mul3A_443 : i32
    %get3A_445 = arith.constant 0 : index
    %get3A_446 = tpu.vector_load %arg5[%get3A_445] {strides = array<i32>} : memref<272xi32, #tpu.memory_space<vmem>>, vector<16xi32>,
    %get3A_447 = vector.shape_cast %get3A_446 : vector<16xi32> to vector<16xi32>
    %add3A_448 = vector.broadcast %mul3A_444 : i32 to vector<16xi32>
    %add3A_449 = arith.addi %get3A_447, %add3A_448 : vector<16xi32>
    %swap3A_450 = arith.constant 0 : index
    %swap3A_451 = tpu.vector_load %arg5[%swap3A_450] {strides = array<i32>} : memref<272xi32, #tpu.memory_space<vmem>>, vector<16xi32>,
    %swap3A_452 = vector.shape_cast %swap3A_451 : vector<16xi32> to vector<16xi32>
    %swap3A_453 = vector.shape_cast %add3A_449 : vector<16xi32> to vector<16xi32>
    tpu.vector_store %arg5[%swap3A_450], %swap3A_453 {strides = array<i32>} : memref<272xi32, #tpu.memory_space<vmem>>, vector<16xi32>,
    %get3A_454 = arith.constant 16 : index
    %get3A_455 = tpu.vector_load %arg5[%get3A_454] {strides = array<i32>} : memref<272xi32, #tpu.memory_space<vmem>>, vector<16xi32>,
    %get3A_456 = vector.shape_cast %get3A_455 : vector<16xi32> to vector<16xi32>
    %add3A_457 = vector.broadcast %mul3A_444 : i32 to vector<16xi32>
    %add3A_458 = arith.addi %get3A_456, %add3A_457 : vector<16xi32>
    %swap3A_459 = arith.constant 16 : index
    %swap3A_460 = tpu.vector_load %arg5[%swap3A_459] {strides = array<i32>} : memref<272xi32, #tpu.memory_space<vmem>>, vector<16xi32>,
    %swap3A_461 = vector.shape_cast %swap3A_460 : vector<16xi32> to vector<16xi32>
    %swap3A_462 = vector.shape_cast %add3A_458 : vector<16xi32> to vector<16xi32>
    tpu.vector_store %arg5[%swap3A_459], %swap3A_462 {strides = array<i32>} : memref<272xi32, #tpu.memory_space<vmem>>, vector<16xi32>,
    %get3A_463 = arith.constant 32 : index
    %get3A_464 = tpu.vector_load %arg5[%get3A_463] {strides = array<i32>} : memref<272xi32, #tpu.memory_space<vmem>>, vector<16xi32>,
    %get3A_465 = vector.shape_cast %get3A_464 : vector<16xi32> to vector<16xi32>
    %add3A_466 = vector.broadcast %mul3A_444 : i32 to vector<16xi32>
    %add3A_467 = arith.addi %get3A_465, %add3A_466 : vector<16xi32>
    %swap3A_468 = arith.constant 32 : index
    %swap3A_469 = tpu.vector_load %arg5[%swap3A_468] {strides = array<i32>} : memref<272xi32, #tpu.memory_space<vmem>>, vector<16xi32>,
    %swap3A_470 = vector.shape_cast %swap3A_469 : vector<16xi32> to vector<16xi32>
    %swap3A_471 = vector.shape_cast %add3A_467 : vector<16xi32> to vector<16xi32>
    tpu.vector_store %arg5[%swap3A_468], %swap3A_471 {strides = array<i32>} : memref<272xi32, #tpu.memory_space<vmem>>, vector<16xi32>,
    %get3A_472 = arith.constant 48 : index
    %get3A_473 = tpu.vector_load %arg5[%get3A_472] {strides = array<i32>} : memref<272xi32, #tpu.memory_space<vmem>>, vector<16xi32>,
    %get3A_474 = vector.shape_cast %get3A_473 : vector<16xi32> to vector<16xi32>
    %add3A_475 = vector.broadcast %mul3A_444 : i32 to vector<16xi32>
    %add3A_476 = arith.addi %get3A_474, %add3A_475 : vector<16xi32>
    %swap3A_477 = arith.constant 48 : index
    %swap3A_478 = tpu.vector_load %arg5[%swap3A_477] {strides = array<i32>} : memref<272xi32, #tpu.memory_space<vmem>>, vector<16xi32>,
    %swap3A_479 = vector.shape_cast %swap3A_478 : vector<16xi32> to vector<16xi32>
    %swap3A_480 = vector.shape_cast %add3A_476 : vector<16xi32> to vector<16xi32>
    tpu.vector_store %arg5[%swap3A_477], %swap3A_480 {strides = array<i32>} : memref<272xi32, #tpu.memory_space<vmem>>, vector<16xi32>,
    %get3A_481 = arith.constant 64 : index
    %get3A_482 = tpu.vector_load %arg5[%get3A_481] {strides = array<i32>} : memref<272xi32, #tpu.memory_space<vmem>>, vector<16xi32>,
    %get3A_483 = vector.shape_cast %get3A_482 : vector<16xi32> to vector<16xi32>
    %add3A_484 = vector.broadcast %mul3A_444 : i32 to vector<16xi32>
    %add3A_485 = arith.addi %get3A_483, %add3A_484 : vector<16xi32>
    %swap3A_486 = arith.constant 64 : index
    %swap3A_487 = tpu.vector_load %arg5[%swap3A_486] {strides = array<i32>} : memref<272xi32, #tpu.memory_space<vmem>>, vector<16xi32>,
    %swap3A_488 = vector.shape_cast %swap3A_487 : vector<16xi32> to vector<16xi32>
    %swap3A_489 = vector.shape_cast %add3A_485 : vector<16xi32> to vector<16xi32>
    tpu.vector_store %arg5[%swap3A_486], %swap3A_489 {strides = array<i32>} : memref<272xi32, #tpu.memory_space<vmem>>, vector<16xi32>,
    %get3A_490 = arith.constant 80 : index
    %get3A_491 = tpu.vector_load %arg5[%get3A_490] {strides = array<i32>} : memref<272xi32, #tpu.memory_space<vmem>>, vector<16xi32>,
    %get3A_492 = vector.shape_cast %get3A_491 : vector<16xi32> to vector<16xi32>
    %add3A_493 = vector.broadcast %mul3A_444 : i32 to vector<16xi32>
    %add3A_494 = arith.addi %get3A_492, %add3A_493 : vector<16xi32>
    %swap3A_495 = arith.constant 80 : index
    %swap3A_496 = tpu.vector_load %arg5[%swap3A_495] {strides = array<i32>} : memref<272xi32, #tpu.memory_space<vmem>>, vector<16xi32>,
    %swap3A_497 = vector.shape_cast %swap3A_496 : vector<16xi32> to vector<16xi32>
    %swap3A_498 = vector.shape_cast %add3A_494 : vector<16xi32> to vector<16xi32>
    tpu.vector_store %arg5[%swap3A_495], %swap3A_498 {strides = array<i32>} : memref<272xi32, #tpu.memory_space<vmem>>, vector<16xi32>,
    %get3A_499 = arith.constant 96 : index
    %get3A_500 = tpu.vector_load %arg5[%get3A_499] {strides = array<i32>} : memref<272xi32, #tpu.memory_space<vmem>>, vector<16xi32>,
    %get3A_501 = vector.shape_cast %get3A_500 : vector<16xi32> to vector<16xi32>
    %add3A_502 = vector.broadcast %mul3A_444 : i32 to vector<16xi32>
    %add3A_503 = arith.addi %get3A_501, %add3A_502 : vector<16xi32>
    %swap3A_504 = arith.constant 96 : index
    %swap3A_505 = tpu.vector_load %arg5[%swap3A_504] {strides = array<i32>} : memref<272xi32, #tpu.memory_space<vmem>>, vector<16xi32>,
    %swap3A_506 = vector.shape_cast %swap3A_505 : vector<16xi32> to vector<16xi32>
    %swap3A_507 = vector.shape_cast %add3A_503 : vector<16xi32> to vector<16xi32>
    tpu.vector_store %arg5[%swap3A_504], %swap3A_507 {strides = array<i32>} : memref<272xi32, #tpu.memory_space<vmem>>, vector<16xi32>,
    %get3A_508 = arith.constant 112 : index
    %get3A_509 = tpu.vector_load %arg5[%get3A_508] {strides = array<i32>} : memref<272xi32, #tpu.memory_space<vmem>>, vector<16xi32>,
    %get3A_510 = vector.shape_cast %get3A_509 : vector<16xi32> to vector<16xi32>
    %add3A_511 = vector.broadcast %mul3A_444 : i32 to vector<16xi32>
    %add3A_512 = arith.addi %get3A_510, %add3A_511 : vector<16xi32>
    %swap3A_513 = arith.constant 112 : index
    %swap3A_514 = tpu.vector_load %arg5[%swap3A_513] {strides = array<i32>} : memref<272xi32, #tpu.memory_space<vmem>>, vector<16xi32>,
    %swap3A_515 = vector.shape_cast %swap3A_514 : vector<16xi32> to vector<16xi32>
    %swap3A_516 = vector.shape_cast %add3A_512 : vector<16xi32> to vector<16xi32>
    tpu.vector_store %arg5[%swap3A_513], %swap3A_516 {strides = array<i32>} : memref<272xi32, #tpu.memory_space<vmem>>, vector<16xi32>,
    %get3A_517 = arith.constant 128 : index
    %get3A_518 = tpu.vector_load %arg5[%get3A_517] {strides = array<i32>} : memref<272xi32, #tpu.memory_space<vmem>>, vector<16xi32>,
    %get3A_519 = vector.shape_cast %get3A_518 : vector<16xi32> to vector<16xi32>
    %add3A_520 = vector.broadcast %mul3A_444 : i32 to vector<16xi32>
    %add3A_521 = arith.addi %get3A_519, %add3A_520 : vector<16xi32>
    %swap3A_522 = arith.constant 128 : index
    %swap3A_523 = tpu.vector_load %arg5[%swap3A_522] {strides = array<i32>} : memref<272xi32, #tpu.memory_space<vmem>>, vector<16xi32>,
    %swap3A_524 = vector.shape_cast %swap3A_523 : vector<16xi32> to vector<16xi32>
    %swap3A_525 = vector.shape_cast %add3A_521 : vector<16xi32> to vector<16xi32>
    tpu.vector_store %arg5[%swap3A_522], %swap3A_525 {strides = array<i32>} : memref<272xi32, #tpu.memory_space<vmem>>, vector<16xi32>,
    %get3A_526 = arith.constant 144 : index
    %get3A_527 = tpu.vector_load %arg5[%get3A_526] {strides = array<i32>} : memref<272xi32, #tpu.memory_space<vmem>>, vector<16xi32>,
    %get3A_528 = vector.shape_cast %get3A_527 : vector<16xi32> to vector<16xi32>
    %add3A_529 = vector.broadcast %mul3A_444 : i32 to vector<16xi32>
    %add3A_530 = arith.addi %get3A_528, %add3A_529 : vector<16xi32>
    %swap3A_531 = arith.constant 144 : index
    %swap3A_532 = tpu.vector_load %arg5[%swap3A_531] {strides = array<i32>} : memref<272xi32, #tpu.memory_space<vmem>>, vector<16xi32>,
    %swap3A_533 = vector.shape_cast %swap3A_532 : vector<16xi32> to vector<16xi32>
    %swap3A_534 = vector.shape_cast %add3A_530 : vector<16xi32> to vector<16xi32>
    tpu.vector_store %arg5[%swap3A_531], %swap3A_534 {strides = array<i32>} : memref<272xi32, #tpu.memory_space<vmem>>, vector<16xi32>,
    %get3A_535 = arith.constant 160 : index
    %get3A_536 = tpu.vector_load %arg5[%get3A_535] {strides = array<i32>} : memref<272xi32, #tpu.memory_space<vmem>>, vector<16xi32>,
    %get3A_537 = vector.shape_cast %get3A_536 : vector<16xi32> to vector<16xi32>
    %add3A_538 = vector.broadcast %mul3A_444 : i32 to vector<16xi32>
    %add3A_539 = arith.addi %get3A_537, %add3A_538 : vector<16xi32>
    %swap3A_540 = arith.constant 160 : index
    %swap3A_541 = tpu.vector_load %arg5[%swap3A_540] {strides = array<i32>} : memref<272xi32, #tpu.memory_space<vmem>>, vector<16xi32>,
    %swap3A_542 = vector.shape_cast %swap3A_541 : vector<16xi32> to vector<16xi32>
    %swap3A_543 = vector.shape_cast %add3A_539 : vector<16xi32> to vector<16xi32>
    tpu.vector_store %arg5[%swap3A_540], %swap3A_543 {strides = array<i32>} : memref<272xi32, #tpu.memory_space<vmem>>, vector<16xi32>,
    %get3A_544 = arith.constant 176 : index
    %get3A_545 = tpu.vector_load %arg5[%get3A_544] {strides = array<i32>} : memref<272xi32, #tpu.memory_space<vmem>>, vector<16xi32>,
    %get3A_546 = vector.shape_cast %get3A_545 : vector<16xi32> to vector<16xi32>
    %add3A_547 = vector.broadcast %mul3A_444 : i32 to vector<16xi32>
    %add3A_548 = arith.addi %get3A_546, %add3A_547 : vector<16xi32>
    %swap3A_549 = arith.constant 176 : index
    %swap3A_550 = tpu.vector_load %arg5[%swap3A_549] {strides = array<i32>} : memref<272xi32, #tpu.memory_space<vmem>>, vector<16xi32>,
    %swap3A_551 = vector.shape_cast %swap3A_550 : vector<16xi32> to vector<16xi32>
    %swap3A_552 = vector.shape_cast %add3A_548 : vector<16xi32> to vector<16xi32>
    tpu.vector_store %arg5[%swap3A_549], %swap3A_552 {strides = array<i32>} : memref<272xi32, #tpu.memory_space<vmem>>, vector<16xi32>,
    %get3A_553 = arith.constant 192 : index
    %get3A_554 = tpu.vector_load %arg5[%get3A_553] {strides = array<i32>} : memref<272xi32, #tpu.memory_space<vmem>>, vector<16xi32>,
    %get3A_555 = vector.shape_cast %get3A_554 : vector<16xi32> to vector<16xi32>
    %add3A_556 = vector.broadcast %mul3A_444 : i32 to vector<16xi32>
    %add3A_557 = arith.addi %get3A_555, %add3A_556 : vector<16xi32>
    %swap3A_558 = arith.constant 192 : index
    %swap3A_559 = tpu.vector_load %arg5[%swap3A_558] {strides = array<i32>} : memref<272xi32, #tpu.memory_space<vmem>>, vector<16xi32>,
    %swap3A_560 = vector.shape_cast %swap3A_559 : vector<16xi32> to vector<16xi32>
    %swap3A_561 = vector.shape_cast %add3A_557 : vector<16xi32> to vector<16xi32>
    tpu.vector_store %arg5[%swap3A_558], %swap3A_561 {strides = array<i32>} : memref<272xi32, #tpu.memory_space<vmem>>, vector<16xi32>,
    %get3A_562 = arith.constant 208 : index
    %get3A_563 = tpu.vector_load %arg5[%get3A_562] {strides = array<i32>} : memref<272xi32, #tpu.memory_space<vmem>>, vector<16xi32>,
    %get3A_564 = vector.shape_cast %get3A_563 : vector<16xi32> to vector<16xi32>
    %add3A_565 = vector.broadcast %mul3A_444 : i32 to vector<16xi32>
    %add3A_566 = arith.addi %get3A_564, %add3A_565 : vector<16xi32>
    %swap3A_567 = arith.constant 208 : index
    %swap3A_568 = tpu.vector_load %arg5[%swap3A_567] {strides = array<i32>} : memref<272xi32, #tpu.memory_space<vmem>>, vector<16xi32>,
    %swap3A_569 = vector.shape_cast %swap3A_568 : vector<16xi32> to vector<16xi32>
    %swap3A_570 = vector.shape_cast %add3A_566 : vector<16xi32> to vector<16xi32>
    tpu.vector_store %arg5[%swap3A_567], %swap3A_570 {strides = array<i32>} : memref<272xi32, #tpu.memory_space<vmem>>, vector<16xi32>,
    %get3A_571 = arith.constant 224 : index
    %get3A_572 = tpu.vector_load %arg5[%get3A_571] {strides = array<i32>} : memref<272xi32, #tpu.memory_space<vmem>>, vector<16xi32>,
    %get3A_573 = vector.shape_cast %get3A_572 : vector<16xi32> to vector<16xi32>
    %add3A_574 = vector.broadcast %mul3A_444 : i32 to vector<16xi32>
    %add3A_575 = arith.addi %get3A_573, %add3A_574 : vector<16xi32>
    %swap3A_576 = arith.constant 224 : index
    %swap3A_577 = tpu.vector_load %arg5[%swap3A_576] {strides = array<i32>} : memref<272xi32, #tpu.memory_space<vmem>>, vector<16xi32>,
    %swap3A_578 = vector.shape_cast %swap3A_577 : vector<16xi32> to vector<16xi32>
    %swap3A_579 = vector.shape_cast %add3A_575 : vector<16xi32> to vector<16xi32>
    tpu.vector_store %arg5[%swap3A_576], %swap3A_579 {strides = array<i32>} : memref<272xi32, #tpu.memory_space<vmem>>, vector<16xi32>,
    %get3A_580 = arith.constant 240 : index
    %get3A_581 = tpu.vector_load %arg5[%get3A_580] {strides = array<i32>} : memref<272xi32, #tpu.memory_space<vmem>>, vector<16xi32>,
    %get3A_582 = vector.shape_cast %get3A_581 : vector<16xi32> to vector<16xi32>
    %add3A_583 = vector.broadcast %mul3A_444 : i32 to vector<16xi32>
    %add3A_584 = arith.addi %get3A_582, %add3A_583 : vector<16xi32>
    %swap3A_585 = arith.constant 240 : index
    %swap3A_586 = tpu.vector_load %arg5[%swap3A_585] {strides = array<i32>} : memref<272xi32, #tpu.memory_space<vmem>>, vector<16xi32>,
    %swap3A_587 = vector.shape_cast %swap3A_586 : vector<16xi32> to vector<16xi32>
    %swap3A_588 = vector.shape_cast %add3A_584 : vector<16xi32> to vector<16xi32>
    tpu.vector_store %arg5[%swap3A_585], %swap3A_588 {strides = array<i32>} : memref<272xi32, #tpu.memory_space<vmem>>, vector<16xi32>,
    %get3A_589 = arith.constant 256 : index
    %get3A_590 = tpu.vector_load %arg5[%get3A_589] {strides = array<i32>} : memref<272xi32, #tpu.memory_space<vmem>>, vector<16xi32>,
    %get3A_591 = vector.shape_cast %get3A_590 : vector<16xi32> to vector<16xi32>
    %add3A_592 = vector.broadcast %mul3A_444 : i32 to vector<16xi32>
    %add3A_593 = arith.addi %get3A_591, %add3A_592 : vector<16xi32>
    %swap3A_594 = arith.constant 256 : index
    %swap3A_595 = tpu.vector_load %arg5[%swap3A_594] {strides = array<i32>} : memref<272xi32, #tpu.memory_space<vmem>>, vector<16xi32>,
    %swap3A_596 = vector.shape_cast %swap3A_595 : vector<16xi32> to vector<16xi32>
    %swap3A_597 = vector.shape_cast %add3A_593 : vector<16xi32> to vector<16xi32>
    tpu.vector_store %arg5[%swap3A_594], %swap3A_597 {strides = array<i32>} : memref<272xi32, #tpu.memory_space<vmem>>, vector<16xi32>,
    %dma_start3A_598 = arith.constant 0 : i32
    %dma_start3A_599 = tpu.memref_slice %arg5[%dma_start3A_598] : memref<272xi32, #tpu.memory_space<vmem>> -> memref<88xi32, #tpu.memory_space<vmem>>
    %dma_start3A_600 = arith.constant 0 : i32
    %dma_start3A_601 = arith.constant 0 : i32
    %dma_start3A_602 = tpu.memref_slice %arg2[%dma_start3A_600, %dma_start3A_601] : memref<55392x577xf32, #tpu.memory_space<hbm>> -> memref<55392x577xf32, #tpu.memory_space<hbm>>
    tpu.enqueue_indirect_dma source(%dma_start3A_602 : memref<55392x577xf32, #tpu.memory_space<hbm>>) target(%arg6 : memref<88x577xf32, #tpu.memory_space<vmem>>) offsets(%dma_start3A_599 : memref<88xi32, #tpu.memory_space<vmem>>) semaphore(%arg8 : memref<!tpu.dma_semaphore, #tpu.memory_space<semaphore_mem>>)
    %dma_wait3A_603 = arith.constant 0 : i32
    %dma_wait3A_604 = tpu.memref_slice %arg5[%dma_wait3A_603] : memref<272xi32, #tpu.memory_space<vmem>> -> memref<88xi32, #tpu.memory_space<vmem>>
    %dma_wait3A_605 = arith.constant 0 : i32
    %dma_wait3A_606 = arith.constant 0 : i32
    %dma_wait3A_607 = tpu.memref_slice %arg2[%dma_wait3A_605, %dma_wait3A_606] : memref<55392x577xf32, #tpu.memory_space<hbm>> -> memref<55392x577xf32, #tpu.memory_space<hbm>>
    tpu.wait_indirect_dma semaphore(%arg8 : memref<!tpu.dma_semaphore, #tpu.memory_space<semaphore_mem>>) src(%dma_wait3A_607 : memref<55392x577xf32, #tpu.memory_space<hbm>>) dst(%arg6 : memref<88x577xf32, #tpu.memory_space<vmem>>)
    "tpu.region"() ({
      %run_scoped3A = tpu.sem_alloc : memref<!tpu.dma_semaphore, #tpu.memory_space<semaphore_mem>>
      %dma_start3A_628 = arith.constant 0 : i32
      %dma_start3A_629 = arith.constant 0 : i32
      %dma_start3A_630 = tpu.memref_slice %arg4[%add3A_418, %dma_start3A_628, %dma_start3A_629] : memref<96x257x577xf32, #tpu.memory_space<hbm>> -> memref<1x88x577xf32, #tpu.memory_space<hbm>>
      %dma_start3A_631 = tpu.memref_squeeze %dma_start3A_630 : memref<1x88x577xf32, #tpu.memory_space<hbm>> -> memref<88x577xf32, #tpu.memory_space<hbm>>
      %dma_start3A_632 = arith.constant 0 : i32
      %dma_start3A_633 = arith.constant 0 : i32
      %dma_start3A_634 = tpu.memref_slice %arg4[%add3A_418, %dma_start3A_632, %dma_start3A_633] : memref<96x257x577xf32, #tpu.memory_space<hbm>> -> memref<1x88x577xf32, #tpu.memory_space<hbm>>
      %dma_start3A_635 = tpu.memref_squeeze %dma_start3A_634 : memref<1x88x577xf32, #tpu.memory_space<hbm>> -> memref<88x577xf32, #tpu.memory_space<hbm>>
      tpu.enqueue_dma source(%arg6 : memref<88x577xf32, #tpu.memory_space<vmem>>) target(%dma_start3A_635 : memref<88x577xf32, #tpu.memory_space<hbm>>) target_semaphore(%run_scoped3A : memref<!tpu.dma_semaphore, #tpu.memory_space<semaphore_mem>>)
      %dma_wait3A_636 = arith.constant 0 : i32
      %dma_wait3A_637 = arith.constant 0 : i32
      %dma_wait3A_638 = tpu.memref_slice %arg4[%add3A_418, %dma_wait3A_636, %dma_wait3A_637] : memref<96x257x577xf32, #tpu.memory_space<hbm>> -> memref<1x88x577xf32, #tpu.memory_space<hbm>>
      %dma_wait3A_639 = tpu.memref_squeeze %dma_wait3A_638 : memref<1x88x577xf32, #tpu.memory_space<hbm>> -> memref<88x577xf32, #tpu.memory_space<hbm>>
      %dma_wait3A_640 = arith.constant 0 : i32
      %dma_wait3A_641 = arith.constant 0 : i32
      %dma_wait3A_642 = tpu.memref_slice %arg4[%add3A_418, %dma_wait3A_640, %dma_wait3A_641] : memref<96x257x577xf32, #tpu.memory_space<hbm>> -> memref<1x88x577xf32, #tpu.memory_space<hbm>>
      %dma_wait3A_643 = tpu.memref_squeeze %dma_wait3A_642 : memref<1x88x577xf32, #tpu.memory_space<hbm>> -> memref<88x577xf32, #tpu.memory_space<hbm>>
      tpu.wait_dma2 semaphore(%run_scoped3A : memref<!tpu.dma_semaphore, #tpu.memory_space<semaphore_mem>>) src(%arg6 : memref<88x577xf32, #tpu.memory_space<vmem>>) dst(%dma_wait3A_643 : memref<88x577xf32, #tpu.memory_space<hbm>>)
      tpu.yield
    }) : () -> ()
    %dma_start3A_608 = arith.constant 88 : i32
    %dma_start3A_609 = tpu.memref_slice %arg5[%dma_start3A_608] : memref<272xi32, #tpu.memory_space<vmem>> -> memref<88xi32, #tpu.memory_space<vmem>>
    %dma_start3A_610 = arith.constant 0 : i32
    %dma_start3A_611 = arith.constant 0 : i32
    %dma_start3A_612 = tpu.memref_slice %arg2[%dma_start3A_610, %dma_start3A_611] : memref<55392x577xf32, #tpu.memory_space<hbm>> -> memref<55392x577xf32, #tpu.memory_space<hbm>>
    tpu.enqueue_indirect_dma source(%dma_start3A_612 : memref<55392x577xf32, #tpu.memory_space<hbm>>) target(%arg6 : memref<88x577xf32, #tpu.memory_space<vmem>>) offsets(%dma_start3A_609 : memref<88xi32, #tpu.memory_space<vmem>>) semaphore(%arg8 : memref<!tpu.dma_semaphore, #tpu.memory_space<semaphore_mem>>)
    %dma_wait3A_613 = arith.constant 88 : i32
    %dma_wait3A_614 = tpu.memref_slice %arg5[%dma_wait3A_613] : memref<272xi32, #tpu.memory_space<vmem>> -> memref<88xi32, #tpu.memory_space<vmem>>
    %dma_wait3A_615 = arith.constant 0 : i32
    %dma_wait3A_616 = arith.constant 0 : i32
    %dma_wait3A_617 = tpu.memref_slice %arg2[%dma_wait3A_615, %dma_wait3A_616] : memref<55392x577xf32, #tpu.memory_space<hbm>> -> memref<55392x577xf32, #tpu.memory_space<hbm>>
    tpu.wait_indirect_dma semaphore(%arg8 : memref<!tpu.dma_semaphore, #tpu.memory_space<semaphore_mem>>) src(%dma_wait3A_617 : memref<55392x577xf32, #tpu.memory_space<hbm>>) dst(%arg6 : memref<88x577xf32, #tpu.memory_space<vmem>>)
    "tpu.region"() ({
      %run_scoped3A = tpu.sem_alloc : memref<!tpu.dma_semaphore, #tpu.memory_space<semaphore_mem>>
      %dma_start3A_628 = arith.constant 88 : i32
      %dma_start3A_629 = arith.constant 0 : i32
      %dma_start3A_630 = tpu.memref_slice %arg4[%add3A_418, %dma_start3A_628, %dma_start3A_629] : memref<96x257x577xf32, #tpu.memory_space<hbm>> -> memref<1x88x577xf32, #tpu.memory_space<hbm>>
      %dma_start3A_631 = tpu.memref_squeeze %dma_start3A_630 : memref<1x88x577xf32, #tpu.memory_space<hbm>> -> memref<88x577xf32, #tpu.memory_space<hbm>>
      %dma_start3A_632 = arith.constant 88 : i32
      %dma_start3A_633 = arith.constant 0 : i32
      %dma_start3A_634 = tpu.memref_slice %arg4[%add3A_418, %dma_start3A_632, %dma_start3A_633] : memref<96x257x577xf32, #tpu.memory_space<hbm>> -> memref<1x88x577xf32, #tpu.memory_space<hbm>>
      %dma_start3A_635 = tpu.memref_squeeze %dma_start3A_634 : memref<1x88x577xf32, #tpu.memory_space<hbm>> -> memref<88x577xf32, #tpu.memory_space<hbm>>
      tpu.enqueue_dma source(%arg6 : memref<88x577xf32, #tpu.memory_space<vmem>>) target(%dma_start3A_635 : memref<88x577xf32, #tpu.memory_space<hbm>>) target_semaphore(%run_scoped3A : memref<!tpu.dma_semaphore, #tpu.memory_space<semaphore_mem>>)
      %dma_wait3A_636 = arith.constant 88 : i32
      %dma_wait3A_637 = arith.constant 0 : i32
      %dma_wait3A_638 = tpu.memref_slice %arg4[%add3A_418, %dma_wait3A_636, %dma_wait3A_637] : memref<96x257x577xf32, #tpu.memory_space<hbm>> -> memref<1x88x577xf32, #tpu.memory_space<hbm>>
      %dma_wait3A_639 = tpu.memref_squeeze %dma_wait3A_638 : memref<1x88x577xf32, #tpu.memory_space<hbm>> -> memref<88x577xf32, #tpu.memory_space<hbm>>
      %dma_wait3A_640 = arith.constant 88 : i32
      %dma_wait3A_641 = arith.constant 0 : i32
      %dma_wait3A_642 = tpu.memref_slice %arg4[%add3A_418, %dma_wait3A_640, %dma_wait3A_641] : memref<96x257x577xf32, #tpu.memory_space<hbm>> -> memref<1x88x577xf32, #tpu.memory_space<hbm>>
      %dma_wait3A_643 = tpu.memref_squeeze %dma_wait3A_642 : memref<1x88x577xf32, #tpu.memory_space<hbm>> -> memref<88x577xf32, #tpu.memory_space<hbm>>
      tpu.wait_dma2 semaphore(%run_scoped3A : memref<!tpu.dma_semaphore, #tpu.memory_space<semaphore_mem>>) src(%arg6 : memref<88x577xf32, #tpu.memory_space<vmem>>) dst(%dma_wait3A_643 : memref<88x577xf32, #tpu.memory_space<hbm>>)
      tpu.yield
    }) : () -> ()
    %dma_start3A_618 = arith.constant 176 : i32
    %dma_start3A_619 = tpu.memref_slice %arg5[%dma_start3A_618] : memref<272xi32, #tpu.memory_space<vmem>> -> memref<81xi32, #tpu.memory_space<vmem>>
    %dma_start3A_620 = arith.constant 0 : i32
    %dma_start3A_621 = arith.constant 0 : i32
    %dma_start3A_622 = tpu.memref_slice %arg2[%dma_start3A_620, %dma_start3A_621] : memref<55392x577xf32, #tpu.memory_space<hbm>> -> memref<55392x577xf32, #tpu.memory_space<hbm>>
    tpu.enqueue_indirect_dma source(%dma_start3A_622 : memref<55392x577xf32, #tpu.memory_space<hbm>>) target(%arg7 : memref<81x577xf32, #tpu.memory_space<vmem>>) offsets(%dma_start3A_619 : memref<81xi32, #tpu.memory_space<vmem>>) semaphore(%arg8 : memref<!tpu.dma_semaphore, #tpu.memory_space<semaphore_mem>>)
    %dma_wait3A_623 = arith.constant 176 : i32
    %dma_wait3A_624 = tpu.memref_slice %arg5[%dma_wait3A_623] : memref<272xi32, #tpu.memory_space<vmem>> -> memref<81xi32, #tpu.memory_space<vmem>>
    %dma_wait3A_625 = arith.constant 0 : i32
    %dma_wait3A_626 = arith.constant 0 : i32
    %dma_wait3A_627 = tpu.memref_slice %arg2[%dma_wait3A_625, %dma_wait3A_626] : memref<55392x577xf32, #tpu.memory_space<hbm>> -> memref<55392x577xf32, #tpu.memory_space<hbm>>
    tpu.wait_indirect_dma semaphore(%arg8 : memref<!tpu.dma_semaphore, #tpu.memory_space<semaphore_mem>>) src(%dma_wait3A_627 : memref<55392x577xf32, #tpu.memory_space<hbm>>) dst(%arg7 : memref<81x577xf32, #tpu.memory_space<vmem>>)
    "tpu.region"() ({
      %run_scoped3A = tpu.sem_alloc : memref<!tpu.dma_semaphore, #tpu.memory_space<semaphore_mem>>
      %dma_start3A_628 = arith.constant 176 : i32
      %dma_start3A_629 = arith.constant 0 : i32
      %dma_start3A_630 = tpu.memref_slice %arg4[%add3A_418, %dma_start3A_628, %dma_start3A_629] : memref<96x257x577xf32, #tpu.memory_space<hbm>> -> memref<1x81x577xf32, #tpu.memory_space<hbm>>
      %dma_start3A_631 = tpu.memref_squeeze %dma_start3A_630 : memref<1x81x577xf32, #tpu.memory_space<hbm>> -> memref<81x577xf32, #tpu.memory_space<hbm>>
      %dma_start3A_632 = arith.constant 176 : i32
      %dma_start3A_633 = arith.constant 0 : i32
      %dma_start3A_634 = tpu.memref_slice %arg4[%add3A_418, %dma_start3A_632, %dma_start3A_633] : memref<96x257x577xf32, #tpu.memory_space<hbm>> -> memref<1x81x577xf32, #tpu.memory_space<hbm>>
      %dma_start3A_635 = tpu.memref_squeeze %dma_start3A_634 : memref<1x81x577xf32, #tpu.memory_space<hbm>> -> memref<81x577xf32, #tpu.memory_space<hbm>>
      tpu.enqueue_dma source(%arg7 : memref<81x577xf32, #tpu.memory_space<vmem>>) target(%dma_start3A_635 : memref<81x577xf32, #tpu.memory_space<hbm>>) target_semaphore(%run_scoped3A : memref<!tpu.dma_semaphore, #tpu.memory_space<semaphore_mem>>)
      %dma_wait3A_636 = arith.constant 176 : i32
      %dma_wait3A_637 = arith.constant 0 : i32
      %dma_wait3A_638 = tpu.memref_slice %arg4[%add3A_418, %dma_wait3A_636, %dma_wait3A_637] : memref<96x257x577xf32, #tpu.memory_space<hbm>> -> memref<1x81x577xf32, #tpu.memory_space<hbm>>
      %dma_wait3A_639 = tpu.memref_squeeze %dma_wait3A_638 : memref<1x81x577xf32, #tpu.memory_space<hbm>> -> memref<81x577xf32, #tpu.memory_space<hbm>>
      %dma_wait3A_640 = arith.constant 176 : i32
      %dma_wait3A_641 = arith.constant 0 : i32
      %dma_wait3A_642 = tpu.memref_slice %arg4[%add3A_418, %dma_wait3A_640, %dma_wait3A_641] : memref<96x257x577xf32, #tpu.memory_space<hbm>> -> memref<1x81x577xf32, #tpu.memory_space<hbm>>
      %dma_wait3A_643 = tpu.memref_squeeze %dma_wait3A_642 : memref<1x81x577xf32, #tpu.memory_space<hbm>> -> memref<81x577xf32, #tpu.memory_space<hbm>>
      tpu.wait_dma2 semaphore(%run_scoped3A : memref<!tpu.dma_semaphore, #tpu.memory_space<semaphore_mem>>) src(%arg7 : memref<81x577xf32, #tpu.memory_space<vmem>>) dst(%dma_wait3A_643 : memref<81x577xf32, #tpu.memory_space<hbm>>)
      tpu.yield
    }) : () -> ()
    return
  }
}

module attributes {stable_mosaic.version = 14 : i64} {
  func.func @_sample_body(%arg0: i32, %arg1: memref<1x12x576xf32, #tpu.memory_space<vmem>>, %arg2: memref<1x12x576x64xf32, #tpu.memory_space<vmem>>, %arg3: memref<1x256x576xf32, #tpu.memory_space<vmem>>, %arg4: memref<1x1x576xf32, #tpu.memory_space<vmem>>, %arg5: memref<1x272x1xi32, #tpu.memory_space<vmem>>, %arg6: memref<1x257x1xi32, #tpu.memory_space<vmem>>) attributes {dimension_semantics = [#tpu.dimension_semantics<arbitrary>], iteration_bounds = array<i64: 8>, scalar_prefetch = 0 : i64, scratch_operands = 0 : i64, tpu.core_type = #tpu.core_type<tc>, window_params = [{transform_indices = @transform_0, window_bounds = array<i64: 1, 12, 576>}, {transform_indices = @transform_1, window_bounds = array<i64: 1, 12, 576, 64>}, {transform_indices = @transform_2, window_bounds = array<i64: 1, 256, 576>}, {transform_indices = @transform_3, window_bounds = array<i64: 1, 1, 576>}, {transform_indices = @transform_4, window_bounds = array<i64: 1, 272, 1>}, {transform_indices = @transform_5, window_bounds = array<i64: 1, 257, 1>}]} {
    %get3A = arith.constant 0 : index
    %get3A_0 = arith.constant 0 : index
    %get3A_1 = arith.constant 0 : index
    %get3A_2 = arith.constant 0 : index
    %get3A_3 = vector.load %arg2[%get3A, %get3A_0, %get3A_1, %get3A_2] : memref<1x12x576x64xf32, #tpu.memory_space<vmem>>, vector<1x12x576x64xf32>
    %get3A_4 = vector.shape_cast %get3A_3 : vector<1x12x576x64xf32> to vector<12x576x64xf32>
    %mul3A = arith.mulf %get3A_4, %get3A_4 : vector<12x576x64xf32>
    %reduce_sum3A = arith.constant dense<0.000000e+00> : vector<12x576xf32>
    %reduce_sum3A_5 = vector.multi_reduction <add>, %mul3A, %reduce_sum3A [2] : vector<12x576x64xf32> to vector<12x576xf32>
    %sqrt3A = math.sqrt %reduce_sum3A_5 : vector<12x576xf32>
    %get3A_6 = arith.constant 0 : index
    %get3A_7 = arith.constant 0 : index
    %get3A_8 = arith.constant 0 : index
    %get3A_9 = vector.load %arg1[%get3A_6, %get3A_7, %get3A_8] : memref<1x12x576xf32, #tpu.memory_space<vmem>>, vector<1x12x576xf32>
    %get3A_10 = vector.shape_cast %get3A_9 : vector<1x12x576xf32> to vector<12x576xf32>
    %mul3A_11 = arith.mulf %get3A_10, %sqrt3A : vector<12x576xf32>
    %reduce_sum3A_12 = arith.constant dense<0.000000e+00> : vector<576xf32>
    %reduce_sum3A_13 = vector.multi_reduction <add>, %mul3A_11, %reduce_sum3A_12 [0] : vector<12x576xf32> to vector<576xf32>
    %broadcast_in_dim3A = vector.shape_cast %reduce_sum3A_13 : vector<576xf32> to vector<1x576xf32>
    %reduce_sum3A_14 = vector.shape_cast %broadcast_in_dim3A : vector<1x576xf32> to vector<1x1x576xf32>
    %reduce_sum3A_15 = arith.constant dense<0.000000e+00> : vector<1xf32>
    %reduce_sum3A_16 = vector.multi_reduction <add>, %reduce_sum3A_14, %reduce_sum3A_15 [1, 2] : vector<1x1x576xf32> to vector<1xf32>
    %reduce_sum3A_17 = vector.shape_cast %reduce_sum3A_16 : vector<1xf32> to vector<1x1x1xf32>
    %reduce_sum3A_18 = vector.extract %reduce_sum3A_17[0, 0, 0] : f32 from vector<1x1x1xf32>
    %add3A = arith.constant 9.99999997E-7 : f32
    %add3A_19 = arith.addf %reduce_sum3A_18, %add3A : f32
    %div3A = vector.broadcast %add3A_19 : f32 to vector<1x576xf32>
    %div3A_20 = arith.divf %broadcast_in_dim3A, %div3A : vector<1x576xf32>
    %add3A_21 = arith.constant 9.99999997E-7 : f32
    %add3A_22 = vector.broadcast %add3A_21 : f32 to vector<1x576xf32>
    %add3A_23 = arith.addf %div3A_20, %add3A_22 : vector<1x576xf32>
    %log3A = math.log %add3A_23 : vector<1x576xf32>
    %get3A_24 = arith.constant 0 : index
    %get3A_25 = arith.constant 0 : index
    %get3A_26 = arith.constant 0 : index
    %get3A_27 = vector.load %arg4[%get3A_24, %get3A_25, %get3A_26] : memref<1x1x576xf32, #tpu.memory_space<vmem>>, vector<1x1x576xf32>
    %get3A_28 = vector.shape_cast %get3A_27 : vector<1x1x576xf32> to vector<1x576xf32>
    %gt3A = arith.constant 0.000000e+00 : f32
    %gt3A_29 = vector.broadcast %gt3A : f32 to vector<1x576xf32>
    %gt3A_30 = arith.cmpf ogt, %get3A_28, %gt3A_29 : vector<1x576xf32>
    %jit3A = arith.constant -1.70141173E+38 : f32
    %broadcast_in_dim3A_31 = vector.broadcast %jit3A : f32 to vector<1x576xf32>
    %select_n3A = arith.select %gt3A_30, %log3A, %broadcast_in_dim3A_31 : vector<1x576xi1>, vector<1x576xf32>
    %get3A_32 = arith.constant 0 : index
    %get3A_33 = arith.constant 0 : index
    %get3A_34 = arith.constant 0 : index
    %get3A_35 = vector.load %arg3[%get3A_32, %get3A_33, %get3A_34] : memref<1x256x576xf32, #tpu.memory_space<vmem>>, vector<1x256x576xf32>
    %get3A_36 = vector.shape_cast %get3A_35 : vector<1x256x576xf32> to vector<256x576xf32>
    %add3A_37 = vector.broadcast %select_n3A : vector<1x576xf32> to vector<256x576xf32>
    %add3A_38 = arith.addf %add3A_37, %get3A_36 : vector<256x576xf32>
    %argmax3A = tpu.reduce_index %add3A_38 {axis = 1 : i32, kind = #tpu.reduction_kind<arg_max>} : vector<256x576xf32> -> vector<256xi32>
    %broadcast_in_dim3A_39 = vector.shape_cast %argmax3A : vector<256xi32> to vector<256x1xi32>
    %iota3A = tpu.iota {dimensions = array<i32: 1>} : vector<256x576xi32>
    %eq3A = vector.broadcast %broadcast_in_dim3A_39 : vector<256x1xi32> to vector<256x576xi32>
    %eq3A_40 = arith.cmpi eq, %eq3A, %iota3A : vector<256x576xi32>
    %reduce_or3A = arith.constant 1.000000e+00 : f32
    %reduce_or3A_41 = arith.constant 0.000000e+00 : f32
    %reduce_or3A_42 = vector.broadcast %reduce_or3A : f32 to vector<256x576xf32>
    %reduce_or3A_43 = vector.broadcast %reduce_or3A_41 : f32 to vector<256x576xf32>
    %reduce_or3A_44 = arith.select %eq3A_40, %reduce_or3A_42, %reduce_or3A_43 : vector<256x576xi1>, vector<256x576xf32>
    %reduce_or3A_45 = arith.constant dense<0xFF800000> : vector<576xf32>
    %reduce_or3A_46 = vector.multi_reduction <maximumf>, %reduce_or3A_44, %reduce_or3A_45 [0] : vector<256x576xf32> to vector<576xf32>
    %reduce_or3A_47 = arith.constant 0.000000e+00 : f32
    %reduce_or3A_48 = vector.broadcast %reduce_or3A_47 : f32 to vector<576xf32>
    %reduce_or3A_49 = arith.cmpf ogt, %reduce_or3A_46, %reduce_or3A_48 : vector<576xf32>
    %broadcast_in_dim3A_50 = vector.shape_cast %reduce_or3A_49 : vector<576xi1> to vector<1x576xi1>
    %convert_element_type3A = arith.extui %broadcast_in_dim3A_50 : vector<1x576xi1> to vector<1x576xi32>
    %convert_element_type3A_51 = arith.sitofp %convert_element_type3A : vector<1x576xi32> to vector<1x576xf32>
    %iota3A_52 = tpu.iota {dimensions = array<i32: 0>} : vector<576x576xi32>
    %iota3A_53 = tpu.iota {dimensions = array<i32: 1>} : vector<576x576xi32>
    %le3A = arith.cmpi sle, %iota3A_52, %iota3A_53 : vector<576x576xi32>
    %convert_element_type3A_54 = arith.extui %le3A : vector<576x576xi1> to vector<576x576xi32>
    %convert_element_type3A_55 = arith.sitofp %convert_element_type3A_54 : vector<576x576xi32> to vector<576x576xf32>
    %dot_general3A = arith.constant dense<0.000000e+00> : vector<1x576xf32>
    %dot_general3A_56 = tpu.matmul %convert_element_type3A_51, %convert_element_type3A_55, %dot_general3A {dimension_numbers = #tpu.dot_dimension_numbers<[1], [0], [0], [1], [0, 0, 1, 1], [], []>, transpose_lhs_hint = false} : vector<1x576xf32>, vector<576x576xf32>, vector<1x576xf32> -> vector<1x576xf32>
    %convert_element_type3A_57 = arith.fptosi %dot_general3A_56 : vector<1x576xf32> to vector<1x576xi32>
    %convert_element_type3A_58 = arith.extui %broadcast_in_dim3A_50 : vector<1x576xi1> to vector<1x576xi32>
    %reduce_sum3A_59 = vector.shape_cast %convert_element_type3A_58 : vector<1x576xi32> to vector<1x1x576xi32>
    %reduce_sum3A_60 = arith.constant dense<0> : vector<1xi32>
    %reduce_sum3A_61 = vector.multi_reduction <add>, %reduce_sum3A_59, %reduce_sum3A_60 [1, 2] : vector<1x1x576xi32> to vector<1xi32>
    %reduce_sum3A_62 = vector.shape_cast %reduce_sum3A_61 : vector<1xi32> to vector<1x1x1xi32>
    %reduce_sum3A_63 = vector.extract %reduce_sum3A_62[0, 0, 0] : i32 from vector<1x1x1xi32>
    %iota3A_64 = tpu.iota {dimensions = array<i32: 0>} : vector<272x576xi32>
    %iota3A_65 = tpu.iota {dimensions = array<i32: 1>} : vector<272x576xi32>
    %eq3A_66 = vector.broadcast %convert_element_type3A_57 : vector<1x576xi32> to vector<272x576xi32>
    %eq3A_67 = arith.cmpi eq, %eq3A_66, %iota3A_64 : vector<272x576xi32>
    %and3A = vector.broadcast %broadcast_in_dim3A_50 : vector<1x576xi1> to vector<272x576xi1>
    %and3A_68 = arith.andi %eq3A_67, %and3A : vector<272x576xi1>
    %add3A_69 = arith.constant 1 : i32
    %add3A_70 = vector.broadcast %add3A_69 : i32 to vector<272x576xi32>
    %add3A_71 = arith.addi %iota3A_65, %add3A_70 : vector<272x576xi32>
    %jit3A_72 = arith.constant 0 : i32
    %broadcast_in_dim3A_73 = vector.broadcast %jit3A_72 : i32 to vector<272x576xi32>
    %select_n3A_74 = arith.select %and3A_68, %add3A_71, %broadcast_in_dim3A_73 : vector<272x576xi1>, vector<272x576xi32>
    %reduce_sum3A_75 = arith.constant dense<0> : vector<272xi32>
    %reduce_sum3A_76 = vector.multi_reduction <add>, %select_n3A_74, %reduce_sum3A_75 [1] : vector<272x576xi32> to vector<272xi32>
    %broadcast_in_dim3A_77 = vector.shape_cast %reduce_sum3A_76 : vector<272xi32> to vector<272x1xi32>
    %swap3A = arith.constant 0 : index
    %swap3A_78 = arith.constant 0 : index
    %swap3A_79 = arith.constant 0 : index
    %swap3A_80 = vector.load %arg5[%swap3A, %swap3A_78, %swap3A_79] : memref<1x272x1xi32, #tpu.memory_space<vmem>>, vector<1x272x1xi32>
    %swap3A_81 = vector.shape_cast %swap3A_80 : vector<1x272x1xi32> to vector<272x1xi32>
    %swap3A_82 = vector.shape_cast %broadcast_in_dim3A_77 : vector<272x1xi32> to vector<1x272x1xi32>
    tpu.vector_store %arg5[%swap3A, %swap3A_78, %swap3A_79], %swap3A_82 {strides = array<i32>} : memref<1x272x1xi32, #tpu.memory_space<vmem>>, vector<1x272x1xi32>,
    %iota3A_83 = tpu.iota {dimensions = array<i32: 0>} : vector<257x1xi32>
    %le3A_84 = vector.broadcast %reduce_sum3A_63 : i32 to vector<257x1xi32>
    %le3A_85 = arith.cmpi sle, %iota3A_83, %le3A_84 : vector<257x1xi32>
    %convert_element_type3A_86 = arith.extui %le3A_85 : vector<257x1xi1> to vector<257x1xi32>
    %swap3A_87 = arith.constant 0 : index
    %swap3A_88 = arith.constant 0 : index
    %swap3A_89 = arith.constant 0 : index
    %swap3A_90 = vector.load %arg6[%swap3A_87, %swap3A_88, %swap3A_89] : memref<1x257x1xi32, #tpu.memory_space<vmem>>, vector<1x257x1xi32>
    %swap3A_91 = vector.shape_cast %swap3A_90 : vector<1x257x1xi32> to vector<257x1xi32>
    %swap3A_92 = vector.shape_cast %convert_element_type3A_86 : vector<257x1xi32> to vector<1x257x1xi32>
    tpu.vector_store %arg6[%swap3A_87, %swap3A_88, %swap3A_89], %swap3A_92 {strides = array<i32>} : memref<1x257x1xi32, #tpu.memory_space<vmem>>, vector<1x257x1xi32>,
    return
  }
  func.func @transform_0(%arg0: i32) -> (i32, i32, i32) {
    %c0_i32 = arith.constant 0 : i32
    %c0_i32_0 = arith.constant 0 : i32
    %c0_i32_1 = arith.constant 0 : i32
    return %arg0, %c0_i32, %c0_i32_0 : i32, i32, i32
  }
  func.func @transform_1(%arg0: i32) -> (i32, i32, i32, i32) {
    %c0_i32 = arith.constant 0 : i32
    %c0_i32_0 = arith.constant 0 : i32
    %c0_i32_1 = arith.constant 0 : i32
    %c0_i32_2 = arith.constant 0 : i32
    return %arg0, %c0_i32, %c0_i32_0, %c0_i32_1 : i32, i32, i32, i32
  }
  func.func @transform_2(%arg0: i32) -> (i32, i32, i32) {
    %c0_i32 = arith.constant 0 : i32
    %c0_i32_0 = arith.constant 0 : i32
    %c0_i32_1 = arith.constant 0 : i32
    return %arg0, %c0_i32, %c0_i32_0 : i32, i32, i32
  }
  func.func @transform_3(%arg0: i32) -> (i32, i32, i32) {
    %c0_i32 = arith.constant 0 : i32
    %c0_i32_0 = arith.constant 0 : i32
    %c0_i32_1 = arith.constant 0 : i32
    return %arg0, %c0_i32, %c0_i32_0 : i32, i32, i32
  }
  func.func @transform_4(%arg0: i32) -> (i32, i32, i32) {
    %c0_i32 = arith.constant 0 : i32
    %c0_i32_0 = arith.constant 0 : i32
    %c0_i32_1 = arith.constant 0 : i32
    return %arg0, %c0_i32, %c0_i32_0 : i32, i32, i32
  }
  func.func @transform_5(%arg0: i32) -> (i32, i32, i32) {
    %c0_i32 = arith.constant 0 : i32
    %c0_i32_0 = arith.constant 0 : i32
    %c0_i32_1 = arith.constant 0 : i32
    return %arg0, %c0_i32, %c0_i32_0 : i32, i32, i32
  }
}

</mosaic_0001>

<sc_bundles>
// kernel: kernel.4.cloned.1.call-start
scs
__scs_entry_jumppad:
0x0: {  	(pc) =	sbr.rel $0x88, $3  }
0x1: {  	(tag) =	ssettag $0x0;
	lr =	simm.s32 $0x1  }
0x2: {  	[smem:$0x3F9E] =	sst lr;
	_ =	strace $0xD0000000  }
0x3: {  	_ = 	snop  }
0x4: {  	_ = 	snop  }
0x5: {  	_ = 	snop  }
0x6: {  	_ = 	snop  }
0x7: {  	_ = 	snop  }
__scs_overlays_trampoline_lowered:
0x8: {  	[smem:$0x3FAD] =	sst s0  }
0x9: {  	[smem:$0x3FAE] =	sst s1  }
0xa: {  	[smem:$0x3FAF] =	sst s2  }
0xb: {  	[smem:$0x3FB0] =	sst s3  }
0xc: {  	[smem:$0x3FB1] =	sst s4  }
0xd: {  	[smem:$0x3FB2] =	sst s5  }
0xe: {  	[smem:$0x3FB3] =	sst s6  }
0xf: {  	[smem:$0x3FB4] =	sst s7  }
0x10: {  	[smem:$0x3FB5] =	sst s8  }
0x11: {  	[smem:$0x3FB6] =	sst s9;
	s0 =	simm.s32 @!p0 $0x0  }
0x12: {  	s1 =	sld [smem:$0x3F9C];
	s0 =	simm.s32 @p0 $0x1  }
0x13: {  	[smem:$0x3FB7] =	sst s0;
	s0 =	simm.s32 @!p1 $0x0  }
0x14: {  	s2 =	sld [smem:$0x3F9B];
	s0 =	simm.s32 @p1 $0x1  }
0x15: {  	[smem:$0x3FB8] =	sst s0;
	s0 =	simm.s32 @!p2 $0x0  }
0x16: {  	s3 =	sld [smem:$0x3FDB];
	s0 =	simm.s32 @p2 $0x1  }
0x17: {  	s4 =	simm.s32 $0x1BF5;
	[smem:$0x3FBA] =	sst s0  }
0x18: {  	s0 =	sld [smem:$0x3F9D];
	_ =	swait.ge [sflag:s4], $0x0  }
0x19: {  	s7 =	sld [smem:$0x3F9E]  }
0x1a: {  	s8 =	sadd.s32 $0xFFFFE003, lr  }
0x1b: {  	s9 =	sadd.s32 $0xFFFFFEF7, lr;
	s5 =	simm.s32 $0xFFFFFFFF;
	p2 =	slt.u32 s8, $0xFFFFF086  }
0x1c: {  	p1 =	slt.u32 s9, $0xF7A;
	s5 =	simm.s32 @!p2 $0x0  }
0x1d: {  	s5 =	simm.s32 @p1 $0x1;
	p0 =	seq.s32 s7, s2  }
0x1e: {  	s7 =	smul.u32 @!p0 $0xF7A, s2;
	p2 =	seq.s32 @!p0 s5, $0x0  }
0x1f: {  	s9 =	smul.u32 $0xF7A, s1;
	s8 =	simm.s32 @!p0 $0x1BF5;
	p2 =	por !p2, p0  }
0x20: {  	[sflag:s8] =	ssyncset.s32 @!p0 $0xFFFFF086;
	s6 =	sadd.s32 @!p0 s3, s7;
	s7 =	simm.s32 @!p0 $0x108  }
0x21: {  	s3 =	sadd.s32 s3, s9;
	s6 =	sadd.s32 @!p0 $0x88, s6;
	s7 =	simm.s32 @p2 $0x1082  }
0x22: {  	[simem:s7], [sflag:s8] =	dma.local @!p0 [hbm:s6], $0xF7A  }
0x23: {  	s9 =	sor.u32 $0xD0000000, s2;
	s6 =	simm.s32 $0x108;
	_ =	swait.ge @!p0 [sflag:s8], $0x0  }
0x24: {  	s3 =	sadd.s32 $0x88, s3;
	s6 =	simm.s32 @!p1 $0x1082;
	[sflag:s4] =	ssyncset.s32 $0xFFFFF086  }
0x25: {  	[simem:s6], [sflag:s4] =	dma.local [hbm:s3], $0xF7A  }
0x26: {  	[smem:$0x3F9E] =	sst s1;
	(tag) =	ssettag s2;
	_ =	strace s9  }
0x27: {  	s1 =	sld [smem:$0x3FAE]  }
0x28: {  	s2 =	sld [smem:$0x3FAF]  }
0x29: {  	s4 =	sld [smem:$0x3FB1]  }
0x2a: {  	p0 =	seq.s32 s5, $0x0;
	s5 =	sld [smem:$0x3FB2]  }
0x2b: {  	s6 =	sld [smem:$0x3FB3]  }
0x2c: {  	s7 =	sld [smem:$0x3FB4]  }
0x2d: {  	s3 =	simm.s32 $0x108;
	s8 =	sld [smem:$0x3FB5]  }
0x2e: {  	s3 =	simm.s32 @!p0 $0x1082;
	s9 =	sld [smem:$0x3FB6]  }
0x2f: {  	lr =	sadd.s32 s0, s3;
	s0 =	sld [smem:$0x3FAD]  }
0x30: {  	s3 =	sld [smem:$0x3FB0]  }
0x31: {  	[smem:$0x3FB9] =	sst s10  }
0x32: {  	s10 =	sld [smem:$0x3FB7];
	_ =	sdelay $0x3  }
0x33: {  	p0 =	seq.s32 s10, $0x1;
	s10 =	sld [smem:$0x3FB9];
	_ =	sdelay $0x3  }
0x34: {  	[smem:$0x3FB9] =	sst s10  }
0x35: {  	s10 =	sld [smem:$0x3FB8];
	_ =	sdelay $0x3  }
0x36: {  	p1 =	seq.s32 s10, $0x1;
	s10 =	sld [smem:$0x3FB9];
	_ =	sdelay $0x3  }
0x37: {  	[smem:$0x3FB9] =	sst s10  }
0x38: {  	s10 =	sld [smem:$0x3FBA]  }
0x39: {  	_ = 	snop;
	(pc) =	sbr.ind lr, $3  }
0x3a: {  	_ = 	snop  }
0x3b: {  	_ = 	snop  }
0x3c: {  	p2 =	seq.s32 s10, $0x1;
	s10 =	sld [smem:$0x3FB9]  }
0x3d: {  	_ =	shalt  }
0x3e: {  	_ =	shalt  }
0x3f: {  	_ =	shalt  }
0x40: {  	_ =	shalt  }
0x41: {  	_ =	shalt  }
0x42: {  	_ =	shalt  }
0x43: {  	_ =	shalt  }
0x44: {  	_ =	shalt  }
0x45: {  	_ =	shalt  }
0x46: {  	_ =	shalt  }
0x47: {  	_ =	shalt  }
0x48: {  	_ =	shalt  }
0x49: {  	_ =	shalt  }
0x4a: {  	_ =	shalt  }
0x4b: {  	_ =	shalt  }
0x4c: {  	_ =	shalt  }
0x4d: {  	_ =	shalt  }
0x4e: {  	_ =	shalt  }
0x4f: {  	_ =	shalt  }
0x50: {  	_ =	shalt  }
0x51: {  	_ =	shalt  }
0x52: {  	_ =	shalt  }
0x53: {  	_ =	shalt  }
0x54: {  	_ =	shalt  }
0x55: {  	_ =	shalt  }
0x56: {  	_ =	shalt  }
0x57: {  	_ =	shalt  }
0x58: {  	_ =	shalt  }
0x59: {  	_ =	shalt  }
0x5a: {  	_ =	shalt  }
0x5b: {  	_ =	shalt  }
0x5c: {  	_ =	shalt  }
0x5d: {  	_ =	shalt  }
0x5e: {  	_ =	shalt  }
0x5f: {  	_ =	shalt  }
0x60: {  	_ =	shalt  }
0x61: {  	_ =	shalt  }
0x62: {  	_ =	shalt  }
0x63: {  	_ =	shalt  }
0x64: {  	_ =	shalt  }
0x65: {  	_ =	shalt  }
0x66: {  	_ =	shalt  }
0x67: {  	_ =	shalt  }
0x68: {  	_ =	shalt  }
0x69: {  	_ =	shalt  }
0x6a: {  	_ =	shalt  }
0x6b: {  	_ =	shalt  }
0x6c: {  	_ =	shalt  }
0x6d: {  	_ =	shalt  }
0x6e: {  	_ =	shalt  }
0x6f: {  	_ =	shalt  }
0x70: {  	_ =	shalt  }
0x71: {  	_ =	shalt  }
0x72: {  	_ =	shalt  }
0x73: {  	_ =	shalt  }
0x74: {  	_ =	shalt  }
0x75: {  	_ =	shalt  }
0x76: {  	_ =	shalt  }
0x77: {  	_ =	shalt  }
0x78: {  	_ =	shalt  }
0x79: {  	_ =	shalt  }
0x7a: {  	_ =	shalt  }
0x7b: {  	_ =	shalt  }
0x7c: {  	_ =	shalt  }
0x7d: {  	_ =	shalt  }
0x7e: {  	_ =	shalt  }
0x7f: {  	_ =	shalt  }
0x80: {  	_ =	shalt  }
0x81: {  	_ =	shalt  }
0x82: {  	_ =	shalt  }
0x83: {  	_ =	shalt  }
0x84: {  	_ =	shalt  }
0x85: {  	_ =	shalt  }
0x86: {  	_ =	shalt  }
0x87: {  	_ =	shalt  }
.Lfunc_end0:
.L_simem_size_0:
called_computation.1_lowered:
.L_overlay_start_0:
0x88: {  	s2 =	sld [smem:$0x3FD9]  }
0x89: {  	s3 =	sld [smem:$0x3FFE];
	_ =	sdelay $0x1  }
0x8a: {  	s1 =	srdreg.scid  }
0x8b: {  	s0 =	sand.u32 $0x1, s1  }
0x8c: {  	s14 =	sshll.u32 s0, $0xA;
	s2 =	sadd.s32 s3, s2  }
0x8d: {  	s2 =	sadd.s32 s2, s14  }
0x8e: {  	[smem:$0x3FC5] =	sst s2  }
0x8f: {  	_ = 	snop  }
0x90: {  	s2 =	sld [smem:$0x3FD0];
	_ =	sdelay $0x2  }
0x91: {  	s15 =	simm.s32 $0xA;
	s4 =	simm.s32 $0x10  }
0x92: {  	[smem:s4], [sflag:s15] =	dma.local [hbm:s2], $0x1  }
0x93: {  	_ =	swait.eq [sflag:s15], $0x1  }
0x94: {  	[sflag:s15] =	ssyncset.done $0x0  }
0x95: {  	[sflag:s15] =	ssyncadd.s32 $0xFFFFFFFF  }
0x96: {  	s16 =	sld [smem:$0x10];
	(tm) =	ssettm $0x1  }
0x97: {  	s17 =	sld [smem:$0x3FFB];
	_ =	sdelay $0x3  }
0x98: {  	_ =	strace s17  }
0x99: {  	s3 =	sld [smem:$0x3FFC];
	_ =	sdelay $0x3  }
0x9a: {  	_ =	strace s3  }
0x9b: {  	s3 =	sld [smem:$0x3FFD];
	_ =	sdelay $0x3  }
0x9c: {  	_ =	strace s3  }
0x9d: {  	_ =	strace $0x8FFFFFFF  }
0x9e: {  	s18 =	sld [smem:$0x3FDB];
	_ =	sdelay $0x1  }
0x9f: {  	s19 =	simm.s32 $_scs_section_size  }
0xa0: {  	s5 =	simm.s32 $_size__tile_overlayer_lowered;
	s6 =	simm.s32 $_tile_overlayer_lowered  }
0xa1: {  	s22 =	simm.s32 $0x1BFF;
	s21 =	sshll.u32 s6, $0x1;
	s3 =	sadd.s32 s19, s18  }
0xa2: {  	s7 =	simm.s32 $0x0;
	s20 =	sshll.u32 s5, $0x1;
	s5 =	sadd.s32 s21, s3  }
0xa3: {  	[timem:s7], [sflag:s22] =	dma.local [hbm:s5], s20  }
0xa4: {  	_ =	swait.ge [sflag:s22], s20  }
0xa5: {  	s4 =	ssub.s32 $0x0, s20;
	[sflag:s22] =	ssyncset.done $0x0  }
0xa6: {  	[sflag:s22] =	ssyncadd.s32 s4;
	_ =	sdelay $0x1  }
0xa7: {  	s23 =	simm.s32 $0x1B8B  }
0xa8: {  	_ =	swait.ge [sflag:s23], $0x1  }
0xa9: {  	[sflag:s23] =	ssyncset.done $0x0  }
0xaa: {  	s25 =	simm.s32 $0x1B8E;
	s24 =	sld [smem:$0x3FFE];
	[sflag:s23] =	ssyncadd.s32 $0xFFFFFFFF  }
0xab: {  	s26 =	simm.s32 $execute0_lowered;
	[smem:$0x3FD2] =	sst s25  }
0xac: {  	s5 =	sshll.u32 s26, $0x1;
	_ =	strace $0x80000046;
	[dreg:$0x1] =	wrdreg $0xFFFFFFFF  }
0xad: {  	s28 =	simm.s32 $_size_execute0_lowered;
	s3 =	sadd.s32 s3, s5;
	[dreg:$0x0] =	wrdreg $0x0  }
0xae: {  	s5 =	sshll.u32 s28, $0x1;
	[dreg:$0x2] =	wrdreg s3  }
0xaf: {  	[dreg:$0x3] =	wrdreg s5  }
0xb0: {  	[dreg:$0x4] =	wrdreg $0xC0  }
0xb1: {  	_ =	task [dreg:s7], $0x5FFFF  }
0xb2: {  	[dreg:$0x1] =	wrdreg $0xFFFFFFFF  }
0xb3: {  	[dreg:$0x0] =	wrdreg $0x60  }
0xb4: {  	[dreg:$0x2] =	wrdreg s24  }
0xb5: {  	[dreg:$0x3] =	wrdreg s16  }
0xb6: {  	[dreg:$0x4] =	wrdreg $0x9  }
0xb7: {  	_ =	task.clear_ibuf [dreg:s7], $0x5FFFF;
	_ =	strace $0x90000046  }
0xb8: {  	s29 =	simm.s32 $0x9;
	_ =	strace $0x80000048  }
0xb9: {  	_ =	swait.ge [sflag:s29], $0x1  }
0xba: {  	[sflag:s29] =	ssyncadd.s32 $0xFFFFFFFF  }
0xbb: {  	_ =	strace $0x90000048  }
0xbc: {  	_ =	sfence  }
0xbd: {  	s30 =	sld [smem:$0x0];
	_ =	sdelay $0x2  }
0xbe: {  	s31 =	sshll.u32 s1, $0xD;
	s1 =	sshrl.u32 s1, $0x2  }
0xbf: {  	s3 =	sand.u32 $0x4000, s31;
	s1 =	sadd.s32 s1, s30  }
0xc0: {  	s0 =	sor.u32 s3, s0;
	s1 =	sshll.u32 s1, $0x11  }
0xc1: {  	s0 =	sor.u32 s1, s0  }
0xc2: {  	s0 =	sadd.s32 $0x8F2B, s0  }
0xc3: {  	[sflag:s0] =	ssyncadd.remote.s32 $0x1  }
0xc4: {  	_ =	sfence.sel $0xFFFF  }
0xc5: {  	[dreg:$0x0] =	wrdreg $0xFFFFFFFF;
	(pc) =	sbr.abs _section_cstart, $3  }
0xc6: {  	[dreg:$0x1] =	wrdreg $0xFFFFFFFF  }
0xc7: {  	_ =	task.clear_ibuf [dreg:s7], $0x2FFFF;
	_ =	strace $0x9FFFFFFF  }
0xc8: {  	(tm) =	ssettm $0x7FFFFFFF  }
0xc9: {  	_ =	shalt  }
tec
execute0_lowered:
.L_overlay_start_1:
0x0: {  	(tag) =	ssettag $0x1  }
0x1: {  	s1 =	srdreg.scid  }
0x2: {  	s0 =	stileid.u32;
	s5 =	rddreg [dreg:$0x0]  }
0x3: {  	s12 =	rddreg [dreg:$0x1];
	s2 =	simm.s32 $0x0;
	s17 =	simm.s32 $0x2  }
0x4: {  	s4 =	sand.u32 $0x1, s1;
	s23 =	sshll.u32 s0, $0x1;
	s7 =	sshrl.u32 s0, $0x1  }
0x5: {  	s18 =	simm.s32 $0x58;
	s6 =	sor.u32 s4, s23;
	s24 =	smul.u32 $0x22, s7  }
0x6: {  	s19 =	simm.s32 $0x110;
	s1 =	rddreg [dreg:$0x2];
	s3 =	smul.u32 $0x3, s6  }
0x7: {  	s20 =	simm.s32 $0x1;
	[smem:$0x7FF] =	sst s2;
	s10 =	smul.u32 $0x6DED8, s6  }
0x8: {  	s13 =	sadd.s32 $0x9E00, s5;
	s4 =	ssub.s32 $0x2, s4;
	s21 =	smul.u32 $0x6C3, s6  }
0x9: {  	_ =	strace $0x80000047;
	s26 =	sshrl.u32 s4, $0x1;
	s14 =	smul.u32 $0x201, s6  }
0xa: {  	s16 =	ssub.s32 s4, s26;
	s4 =	sadd.s32 s13, s24;
	s9 =	sadd.s32 $0x1, s3  }
0xb: {  	s3 =	sadd.s32 $0x448E00, s5;
	s28 =	sshrl.u32 s10, $0x3;
	s29 =	sadd.s32 $0x156, s14  }
0xc: {  	s10 =	sadd.s32 $0x49490, s10;
	s23 =	sadd.s32 $0x482, s21;
	s8 =	smul.u32 $0xAB, s9  }
0xd: {  	s16 =	smax.u32 s16, $0x1;
	v0 =	vmov s21;
	s21 =	simm.s32 $0x51;
	s15 =	smul.u32 $0x24A48, s9  }
0xe: {  	s5 =	sadd.s32 s12, s28;
	s22 =	smul.u32 $0x241, s9;
	s14 =	sshrl.u32 s29, $0xB  }
0xf: {  	s31 =	sshrl.u32 s10, $0x3;
	v2 =	vmov s23;
	s23 =	simm.s32 $0xC9D0;
	s25 =	sshrl.u32 s8, $0xB  }
0x10: {  	s6 =	sadd.s32 $0x1918, s5;
	s14 =	smul.u32 $0x22, s14;
	s7 =	sand.u32 $0x1F, s25  }
0x11: {  	s30 =	sshrl.u32 s15, $0x3;
	v1 =	vmov s22;
	s22 =	simm.s32 $0xB0;
	s11 =	smul.u32 $0x22, s7  }
0x12: {  	s9 =	sadd.s32 s12, s30;
	s12 =	sadd.s32 s12, s31;
	s7 =	sadd.s32 $0x3230, s5  }
0x13: {  	s10 =	sadd.s32 $0x1918, s9;
	s15 =	sadd.s32 $0x3230, s12;
	s8 =	sadd.s32 s13, s11  }
0x14: {  	s11 =	sadd.s32 $0x3230, s9;
	s13 =	sadd.s32 s13, s14;
	s14 =	sadd.s32 $0x1918, s12  }
.LBB2_1:
0x15: {  	[tilespmem:s2], [sflag:$0x2] =	stream.linear.gather [hbm4b:s4+s2], $0x110, $0x38;
	[tilespmem:$0x18298] =	vst v63  }
0x16: {  	_ =	swait.ge [sflag:s17], $0x110  }
0x17: {  	[sflag:s17] =	ssyncset.done $0x0  }
0x18: {  	[sflag:s17] =	ssyncadd.s32 $0xFFFFFEF0  }
0x19: {  	v3 =	vld [tilespmem:$0x0]  }
0x1a: {  	v4 =	vld [tilespmem:$0x10]  }
0x1b: {  	v5 =	vld [tilespmem:$0x20]  }
0x1c: {  	v6 =	vld [tilespmem:$0x30]  }
0x1d: {  	v7 =	vld [tilespmem:$0x40]  }
0x1e: {  	v8 =	vld [tilespmem:$0x50];
	v3 =	vadd.s32 v0, v3  }
0x1f: {  	v21 =	vld [tilespmem:$0x60];
	[tilespmem:$0x0] =	vst v3;
	v3 =	vadd.s32 v0, v4  }
0x20: {  	v22 =	vld [tilespmem:$0x70];
	[tilespmem:$0x10] =	vst v3;
	v3 =	vadd.s32 v0, v5  }
0x21: {  	v23 =	vld [tilespmem:$0x80];
	[tilespmem:$0x20] =	vst v3;
	v3 =	vadd.s32 v0, v6  }
0x22: {  	v24 =	vld [tilespmem:$0x90];
	[tilespmem:$0x30] =	vst v3;
	v3 =	vadd.s32 v0, v7  }
0x23: {  	v25 =	vld [tilespmem:$0xA0];
	[tilespmem:$0x40] =	vst v3;
	v3 =	vadd.s32 v0, v8  }
0x24: {  	v26 =	vld [tilespmem:$0xB0];
	[tilespmem:$0x50] =	vst v3;
	v3 =	vadd.s32 v0, v21  }
0x25: {  	v27 =	vld [tilespmem:$0xC0];
	[tilespmem:$0x60] =	vst v3;
	v3 =	vadd.s32 v0, v22  }
0x26: {  	v28 =	vld [tilespmem:$0xD0];
	[tilespmem:$0x70] =	vst v3;
	v3 =	vadd.s32 v0, v23  }
0x27: {  	v29 =	vld [tilespmem:$0xE0];
	[tilespmem:$0x80] =	vst v3;
	v3 =	vadd.s32 v0, v24  }
0x28: {  	v30 =	vld [tilespmem:$0xF0];
	[tilespmem:$0x90] =	vst v3;
	v3 =	vadd.s32 v0, v25  }
0x29: {  	v31 =	vld [tilespmem:$0x100];
	[tilespmem:$0xA0] =	vst v3;
	v3 =	vadd.s32 v0, v26  }
0x2a: {  	[tilespmem:$0xB0] =	vst v3;
	v3 =	vadd.s32 v0, v27  }
0x2b: {  	[tilespmem:$0xC0] =	vst v3;
	v3 =	vadd.s32 v0, v28  }
0x2c: {  	[tilespmem:$0xD0] =	vst v3;
	v3 =	vadd.s32 v0, v29  }
0x2d: {  	[tilespmem:$0xE0] =	vst v3;
	v3 =	vadd.s32 v0, v30  }
0x2e: {  	[tilespmem:$0xF0] =	vst v3;
	v3 =	vadd.s32 v0, v31  }
0x2f: {  	[tilespmem:$0x100] =	vst v3  }
0x30: {  	[tilespmem:s19], [sflag:$0x1] =	stream.indirect.gather [hbm4b:s3+s18], $0x241, s2, s18, $0xb8;
	[tilespmem:$0x18298] =	vst v63  }
0x31: {  	_ =	swait.ge [sflag:s20], $0xC658  }
0x32: {  	[sflag:s20] =	ssyncset.done $0x0  }
0x33: {  	[sflag:s20] =	ssyncadd.s32 $0xFFFF39A8  }
0x34: {  	[hbm4b:s5+s2] =	stream.linear.scatter [tilespmem:s19], [sflag:$0x2], $0xC8C0, $0x38;
	[tilespmem:$0x18298] =	vst v63  }
0x35: {  	_ =	swait.ge [sflag:s17], $0xC8C0  }
0x36: {  	[sflag:s17] =	ssyncset.done $0x0  }
0x37: {  	[sflag:s17] =	ssyncadd.s32 $0xFFFF3740  }
0x38: {  	[tilespmem:s19], [sflag:$0x1] =	stream.indirect.gather [hbm4b:s3+s18], $0x241, s18, s18, $0xb8;
	[tilespmem:$0x18298] =	vst v63  }
0x39: {  	_ =	swait.ge [sflag:s20], $0xC658  }
0x3a: {  	[sflag:s20] =	ssyncset.done $0x0  }
0x3b: {  	[sflag:s20] =	ssyncadd.s32 $0xFFFF39A8  }
0x3c: {  	[hbm4b:s6+s2] =	stream.linear.scatter [tilespmem:s19], [sflag:$0x2], $0xC8C0, $0x38;
	[tilespmem:$0x18298] =	vst v63  }
0x3d: {  	_ =	swait.ge [sflag:s17], $0xC8C0  }
0x3e: {  	[sflag:s17] =	ssyncset.done $0x0  }
0x3f: {  	[sflag:s17] =	ssyncadd.s32 $0xFFFF3740  }
0x40: {  	[tilespmem:s23], [sflag:$0x1] =	stream.indirect.gather [hbm4b:s3+s21], $0x241, s22, s21, $0xb8;
	[tilespmem:$0x18298] =	vst v63  }
0x41: {  	_ =	swait.ge [sflag:s20], $0xB691  }
0x42: {  	[sflag:s20] =	ssyncset.done $0x0  }
0x43: {  	[sflag:s20] =	ssyncadd.s32 $0xFFFF496F  }
0x44: {  	[hbm4b:s7+s2] =	stream.linear.scatter [tilespmem:s23], [sflag:$0x2], $0xB8C8, $0x38;
	[tilespmem:$0x18298] =	vst v63  }
0x45: {  	_ =	swait.ge [sflag:s17], $0xB8C8  }
0x46: {  	[sflag:s17] =	ssyncset.done $0x0  }
0x47: {  	[sflag:s17] =	ssyncadd.s32 $0xFFFF4738  }
0x48: {  	[tilespmem:s2], [sflag:$0x2] =	stream.linear.gather [hbm4b:s8+s2], $0x110, $0x38;
	[tilespmem:$0x18298] =	vst v63  }
0x49: {  	_ =	swait.ge [sflag:s17], $0x110  }
0x4a: {  	[sflag:s17] =	ssyncset.done $0x0  }
0x4b: {  	[sflag:s17] =	ssyncadd.s32 $0xFFFFFEF0  }
0x4c: {  	v3 =	vld [tilespmem:$0x0]  }
0x4d: {  	v32 =	vld [tilespmem:$0x10]  }
0x4e: {  	v33 =	vld [tilespmem:$0x20]  }
0x4f: {  	v34 =	vld [tilespmem:$0x30]  }
0x50: {  	v35 =	vld [tilespmem:$0x40]  }
0x51: {  	v36 =	vld [tilespmem:$0x50];
	v3 =	vadd.s32 v1, v3  }
0x52: {  	v37 =	vld [tilespmem:$0x60];
	[tilespmem:$0x0] =	vst v3;
	v3 =	vadd.s32 v1, v32  }
0x53: {  	v38 =	vld [tilespmem:$0x70];
	[tilespmem:$0x10] =	vst v3;
	v3 =	vadd.s32 v1, v33  }
0x54: {  	v39 =	vld [tilespmem:$0x80];
	[tilespmem:$0x20] =	vst v3;
	v3 =	vadd.s32 v1, v34  }
0x55: {  	v40 =	vld [tilespmem:$0x90];
	[tilespmem:$0x30] =	vst v3;
	v3 =	vadd.s32 v1, v35  }
0x56: {  	v41 =	vld [tilespmem:$0xA0];
	[tilespmem:$0x40] =	vst v3;
	v3 =	vadd.s32 v1, v36  }
0x57: {  	v42 =	vld [tilespmem:$0xB0];
	[tilespmem:$0x50] =	vst v3;
	v3 =	vadd.s32 v1, v37  }
0x58: {  	v43 =	vld [tilespmem:$0xC0];
	[tilespmem:$0x60] =	vst v3;
	v3 =	vadd.s32 v1, v38  }
0x59: {  	v44 =	vld [tilespmem:$0xD0];
	[tilespmem:$0x70] =	vst v3;
	v3 =	vadd.s32 v1, v39  }
0x5a: {  	v45 =	vld [tilespmem:$0xE0];
	[tilespmem:$0x80] =	vst v3;
	v3 =	vadd.s32 v1, v40  }
0x5b: {  	v46 =	vld [tilespmem:$0xF0];
	[tilespmem:$0x90] =	vst v3;
	v3 =	vadd.s32 v1, v41  }
0x5c: {  	v47 =	vld [tilespmem:$0x100];
	[tilespmem:$0xA0] =	vst v3;
	v3 =	vadd.s32 v1, v42  }
0x5d: {  	[tilespmem:$0xB0] =	vst v3;
	v3 =	vadd.s32 v1, v43  }
0x5e: {  	[tilespmem:$0xC0] =	vst v3;
	v3 =	vadd.s32 v1, v44  }
0x5f: {  	[tilespmem:$0xD0] =	vst v3;
	v3 =	vadd.s32 v1, v45  }
0x60: {  	[tilespmem:$0xE0] =	vst v3;
	v3 =	vadd.s32 v1, v46  }
0x61: {  	[tilespmem:$0xF0] =	vst v3;
	v3 =	vadd.s32 v1, v47  }
0x62: {  	[tilespmem:$0x100] =	vst v3  }
0x63: {  	[tilespmem:s19], [sflag:$0x1] =	stream.indirect.gather [hbm4b:s3+s18], $0x241, s2, s18, $0xb8;
	[tilespmem:$0x18298] =	vst v63  }
0x64: {  	_ =	swait.ge [sflag:s20], $0xC658  }
0x65: {  	[sflag:s20] =	ssyncset.done $0x0  }
0x66: {  	[sflag:s20] =	ssyncadd.s32 $0xFFFF39A8  }
0x67: {  	[hbm4b:s9+s2] =	stream.linear.scatter [tilespmem:s19], [sflag:$0x2], $0xC8C0, $0x38;
	[tilespmem:$0x18298] =	vst v63  }
0x68: {  	_ =	swait.ge [sflag:s17], $0xC8C0  }
0x69: {  	[sflag:s17] =	ssyncset.done $0x0  }
0x6a: {  	[sflag:s17] =	ssyncadd.s32 $0xFFFF3740  }
0x6b: {  	[tilespmem:s19], [sflag:$0x1] =	stream.indirect.gather [hbm4b:s3+s18], $0x241, s18, s18, $0xb8;
	[tilespmem:$0x18298] =	vst v63  }
0x6c: {  	_ =	swait.ge [sflag:s20], $0xC658  }
0x6d: {  	[sflag:s20] =	ssyncset.done $0x0  }
0x6e: {  	[sflag:s20] =	ssyncadd.s32 $0xFFFF39A8  }
0x6f: {  	[hbm4b:s10+s2] =	stream.linear.scatter [tilespmem:s19], [sflag:$0x2], $0xC8C0, $0x38;
	[tilespmem:$0x18298] =	vst v63  }
0x70: {  	_ =	swait.ge [sflag:s17], $0xC8C0  }
0x71: {  	[sflag:s17] =	ssyncset.done $0x0  }
0x72: {  	[sflag:s17] =	ssyncadd.s32 $0xFFFF3740  }
0x73: {  	[tilespmem:s23], [sflag:$0x1] =	stream.indirect.gather [hbm4b:s3+s21], $0x241, s22, s21, $0xb8;
	[tilespmem:$0x18298] =	vst v63  }
0x74: {  	_ =	swait.ge [sflag:s20], $0xB691  }
0x75: {  	[sflag:s20] =	ssyncset.done $0x0  }
0x76: {  	[sflag:s20] =	ssyncadd.s32 $0xFFFF496F  }
0x77: {  	[hbm4b:s11+s2] =	stream.linear.scatter [tilespmem:s23], [sflag:$0x2], $0xB8C8, $0x38;
	[tilespmem:$0x18298] =	vst v63  }
0x78: {  	_ =	swait.ge [sflag:s17], $0xB8C8  }
0x79: {  	[sflag:s17] =	ssyncset.done $0x0  }
0x7a: {  	[sflag:s17] =	ssyncadd.s32 $0xFFFF4738  }
0x7b: {  	[tilespmem:s2], [sflag:$0x2] =	stream.linear.gather [hbm4b:s13+s2], $0x110, $0x38;
	[tilespmem:$0x18298] =	vst v63  }
0x7c: {  	_ =	swait.ge [sflag:s17], $0x110  }
0x7d: {  	[sflag:s17] =	ssyncset.done $0x0  }
0x7e: {  	[sflag:s17] =	ssyncadd.s32 $0xFFFFFEF0  }
0x7f: {  	v3 =	vld [tilespmem:$0x0]  }
0x80: {  	v48 =	vld [tilespmem:$0x10]  }
0x81: {  	v49 =	vld [tilespmem:$0x20]  }
0x82: {  	v50 =	vld [tilespmem:$0x30]  }
0x83: {  	v51 =	vld [tilespmem:$0x40]  }
0x84: {  	v52 =	vld [tilespmem:$0x50];
	v3 =	vadd.s32 v2, v3  }
0x85: {  	v53 =	vld [tilespmem:$0x60];
	[tilespmem:$0x0] =	vst v3;
	v3 =	vadd.s32 v2, v48  }
0x86: {  	v54 =	vld [tilespmem:$0x70];
	[tilespmem:$0x10] =	vst v3;
	v3 =	vadd.s32 v2, v49  }
0x87: {  	v55 =	vld [tilespmem:$0x80];
	[tilespmem:$0x20] =	vst v3;
	v3 =	vadd.s32 v2, v50  }
0x88: {  	v56 =	vld [tilespmem:$0x90];
	[tilespmem:$0x30] =	vst v3;
	v3 =	vadd.s32 v2, v51  }
0x89: {  	v57 =	vld [tilespmem:$0xA0];
	[tilespmem:$0x40] =	vst v3;
	v3 =	vadd.s32 v2, v52  }
0x8a: {  	v58 =	vld [tilespmem:$0xB0];
	[tilespmem:$0x50] =	vst v3;
	v3 =	vadd.s32 v2, v53  }
0x8b: {  	v59 =	vld [tilespmem:$0xC0];
	[tilespmem:$0x60] =	vst v3;
	v3 =	vadd.s32 v2, v54  }
0x8c: {  	v60 =	vld [tilespmem:$0xD0];
	[tilespmem:$0x70] =	vst v3;
	v3 =	vadd.s32 v2, v55  }
0x8d: {  	v61 =	vld [tilespmem:$0xE0];
	[tilespmem:$0x80] =	vst v3;
	v3 =	vadd.s32 v2, v56  }
0x8e: {  	v62 =	vld [tilespmem:$0xF0];
	[tilespmem:$0x90] =	vst v3;
	v3 =	vadd.s32 v2, v57  }
0x8f: {  	v63 =	vld [tilespmem:$0x100];
	[tilespmem:$0xA0] =	vst v3;
	v3 =	vadd.s32 v2, v58  }
0x90: {  	[tilespmem:$0xB0] =	vst v3;
	v3 =	vadd.s32 v2, v59  }
0x91: {  	[tilespmem:$0xC0] =	vst v3;
	v3 =	vadd.s32 v2, v60  }
0x92: {  	[tilespmem:$0xD0] =	vst v3;
	v3 =	vadd.s32 v2, v61  }
0x93: {  	[tilespmem:$0xE0] =	vst v3;
	v3 =	vadd.s32 v2, v62  }
0x94: {  	[tilespmem:$0xF0] =	vst v3;
	v3 =	vadd.s32 v2, v63  }
0x95: {  	[tilespmem:$0x100] =	vst v3  }
0x96: {  	[tilespmem:s19], [sflag:$0x1] =	stream.indirect.gather [hbm4b:s3+s18], $0x241, s2, s18, $0xb8;
	[tilespmem:$0x18298] =	vst v63  }
0x97: {  	_ =	swait.ge [sflag:s20], $0xC658  }
0x98: {  	[sflag:s20] =	ssyncset.done $0x0  }
0x99: {  	[sflag:s20] =	ssyncadd.s32 $0xFFFF39A8  }
0x9a: {  	[hbm4b:s12+s2] =	stream.linear.scatter [tilespmem:s19], [sflag:$0x2], $0xC8C0, $0x38;
	[tilespmem:$0x18298] =	vst v63  }
0x9b: {  	_ =	swait.ge [sflag:s17], $0xC8C0  }
0x9c: {  	[sflag:s17] =	ssyncset.done $0x0  }
0x9d: {  	[sflag:s17] =	ssyncadd.s32 $0xFFFF3740  }
0x9e: {  	[tilespmem:s19], [sflag:$0x1] =	stream.indirect.gather [hbm4b:s3+s18], $0x241, s18, s18, $0xb8;
	[tilespmem:$0x18298] =	vst v63  }
0x9f: {  	_ =	swait.ge [sflag:s20], $0xC658  }
0xa0: {  	[sflag:s20] =	ssyncset.done $0x0  }
0xa1: {  	[sflag:s20] =	ssyncadd.s32 $0xFFFF39A8  }
0xa2: {  	[hbm4b:s14+s2] =	stream.linear.scatter [tilespmem:s19], [sflag:$0x2], $0xC8C0, $0x38;
	[tilespmem:$0x18298] =	vst v63  }
0xa3: {  	_ =	swait.ge [sflag:s17], $0xC8C0  }
0xa4: {  	[sflag:s17] =	ssyncset.done $0x0  }
0xa5: {  	[sflag:s17] =	ssyncadd.s32 $0xFFFF3740  }
0xa6: {  	[tilespmem:s23], [sflag:$0x1] =	stream.indirect.gather [hbm4b:s3+s21], $0x241, s22, s21, $0xb8;
	[tilespmem:$0x18298] =	vst v63  }
0xa7: {  	_ =	swait.ge [sflag:s20], $0xB691  }
0xa8: {  	p0 =	sne.s32 s16, $0x1;
	[sflag:s20] =	ssyncset.done $0x0  }
.Ltmp0:
0xa9: {  	[sflag:s20] =	ssyncadd.s32 $0xFFFF496F;
	(pc) =	sbr.rel @p0 .LBB2_1-.Ltmp0, $4  }
0xaa: {  	[hbm4b:s15+s2] =	stream.linear.scatter [tilespmem:s23], [sflag:$0x2], $0xB8C8, $0x38;
	[tilespmem:$0x18298] =	vst v63  }
0xab: {  	_ =	swait.ge [sflag:s17], $0xB8C8  }
0xac: {  	[sflag:s17] =	ssyncset.done $0x0  }
0xad: {  	s16 =	sadd.s32 $0xFFFFFFFF, s16;
	[sflag:s17] =	ssyncadd.s32 $0xFFFF4738  }
0xae: {  	_ =	sfence.sel $0x180000  }
0xaf: {  	[bflag:$0x0] =	sbarrier.arrive $0xFFFF  }
0xb0: {  	p0 =	sne.s32 s0, $0x0;
	_ =	strace $0x90000047  }
0xb1: {  	s0 =	sadd.s32 @!p0 $0x100000, s1;
	[bflag:$0x2] =	sbarrier.arrive $0xFFFF  }
0xb2: {  	[sflag:s0] =	ssyncadd.tile.s32 @!p0 $0x1;
	_ =	shalt  }
.Lfunc_end2:
_tile_overlayer_lowered:
.L_overlay_start_2:
0xb3: {  	(tag) =	ssettag $0x2  }
0xb4: {  	s0 =	rddreg [dreg:$0x0];
	s2 =	stileid.u32  }
0xb5: {  	s1 =	rddreg [dreg:$0x1];
	p0 =	sne.s32 s2, $0x0  }
0xb6: {  	s3 =	rddreg [dreg:$0x2];
	[bflag:$0x3] =	sbarrier.arrive $0xFFFF;
	s2 =	simm.s32 @!p0 $0x1C02  }
0xb7: {  	[timem:s3], [sflag:s2] =	dma.local @!p0 [hbm:s0], s1  }
0xb8: {  	s0 =	simm.s32 @!p0 $0x2  }
0xb9: {  	_ =	swait.ge @!p0 [sflag:s0], s1  }
0xba: {  	s1 =	ssub.s32 @!p0 $0x0, s1;
	[sflag:s0] =	ssyncset.done @!p0 $0x0  }
0xbb: {  	[sflag:s0] =	ssyncadd.s32 @!p0 s1  }
0xbc: {  	[bflag:$0x3] =	sbarrier.arrive $0xFFFF  }
0xbd: {  	_ =	shalt  }

// kernel: sparse-core-data-format-call.cloned.1.call-start
scs
called_computation_lowered:
.L_overlay_start_0:
0x0: {  	s2 =	sld [smem:$0x3FD9]  }
0x1: {  	s3 =	sld [smem:$0x3FFE];
	_ =	sdelay $0x1  }
0x2: {  	s1 =	srdreg.scid  }
0x3: {  	s0 =	sand.u32 $0x1, s1  }
0x4: {  	s15 =	sshll.u32 s0, $0xA;
	s2 =	sadd.s32 s3, s2  }
0x5: {  	s2 =	sadd.s32 s2, s15  }
0x6: {  	[smem:$0x3FC5] =	sst s2  }
0x7: {  	_ = 	snop  }
0x8: {  	s2 =	sld [smem:$0x3FD0];
	_ =	sdelay $0x2  }
0x9: {  	s16 =	simm.s32 $0xA;
	s4 =	simm.s32 $0x10  }
0xa: {  	[smem:s4], [sflag:s16] =	dma.local [hbm:s2], $0x1  }
0xb: {  	_ =	swait.eq [sflag:s16], $0x1  }
0xc: {  	[sflag:s16] =	ssyncset.done $0x0  }
0xd: {  	[sflag:s16] =	ssyncadd.s32 $0xFFFFFFFF  }
0xe: {  	s17 =	sld [smem:$0x10];
	(tm) =	ssettm $0x1  }
0xf: {  	s18 =	sld [smem:$0x3FFB];
	_ =	sdelay $0x3  }
0x10: {  	_ =	strace s18  }
0x11: {  	s3 =	sld [smem:$0x3FFC];
	_ =	sdelay $0x3  }
0x12: {  	_ =	strace s3  }
0x13: {  	s3 =	sld [smem:$0x3FFD];
	_ =	sdelay $0x3  }
0x14: {  	_ =	strace s3  }
0x15: {  	_ =	strace $0x8FFFFFFF  }
0x16: {  	s19 =	sld [smem:$0x3FDB];
	_ =	sdelay $0x1  }
0x17: {  	s20 =	simm.s32 $_scs_section_size  }
0x18: {  	s5 =	simm.s32 $_size__tile_overlayer_lowered;
	s6 =	simm.s32 $_tile_overlayer_lowered  }
0x19: {  	s23 =	simm.s32 $0x1BFF;
	s22 =	sshll.u32 s6, $0x1;
	s3 =	sadd.s32 s20, s19  }
0x1a: {  	s7 =	simm.s32 $0x0;
	s21 =	sshll.u32 s5, $0x1;
	s5 =	sadd.s32 s22, s3  }
0x1b: {  	[timem:s7], [sflag:s23] =	dma.local [hbm:s5], s21  }
0x1c: {  	_ =	swait.ge [sflag:s23], s21  }
0x1d: {  	s4 =	ssub.s32 $0x0, s21;
	[sflag:s23] =	ssyncset.done $0x0  }
0x1e: {  	[sflag:s23] =	ssyncadd.s32 s4;
	_ =	sdelay $0x1  }
0x1f: {  	s24 =	simm.s32 $0x1B8B  }
0x20: {  	_ =	swait.ge [sflag:s24], $0x1  }
0x21: {  	[sflag:s24] =	ssyncset.done $0x0  }
0x22: {  	s26 =	simm.s32 $0x1B8E;
	s25 =	sld [smem:$0x3FFE];
	[sflag:s24] =	ssyncadd.s32 $0xFFFFFFFF  }
0x23: {  	s27 =	simm.s32 $execute0_lowered;
	[smem:$0x3FD2] =	sst s26  }
0x24: {  	s5 =	sshll.u32 s27, $0x1;
	_ =	strace $0x80000049;
	[dreg:$0x1] =	wrdreg $0xFFFFFFFF  }
0x25: {  	s28 =	simm.s32 $_size_execute0_lowered;
	s3 =	sadd.s32 s3, s5;
	[dreg:$0x0] =	wrdreg $0x0  }
0x26: {  	s5 =	sshll.u32 s28, $0x1;
	[dreg:$0x2] =	wrdreg s3  }
0x27: {  	[dreg:$0x3] =	wrdreg s5  }
0x28: {  	[dreg:$0x4] =	wrdreg $0xC0  }
0x29: {  	_ =	task [dreg:s7], $0x5FFFF  }
0x2a: {  	[dreg:$0x1] =	wrdreg $0xFFFFFFFF  }
0x2b: {  	[dreg:$0x0] =	wrdreg $0x60  }
0x2c: {  	[dreg:$0x2] =	wrdreg s25  }
0x2d: {  	[dreg:$0x3] =	wrdreg s17  }
0x2e: {  	[dreg:$0x4] =	wrdreg $0x9  }
0x2f: {  	_ =	task.clear_ibuf [dreg:s7], $0x5FFFF;
	_ =	strace $0x90000049  }
0x30: {  	s29 =	simm.s32 $0x9;
	_ =	strace $0x8000004B  }
0x31: {  	_ =	swait.ge [sflag:s29], $0x1  }
0x32: {  	[sflag:s29] =	ssyncadd.s32 $0xFFFFFFFF  }
0x33: {  	_ =	strace $0x9000004B  }
0x34: {  	_ =	sfence  }
0x35: {  	s30 =	sld [smem:$0x0];
	_ =	sdelay $0x2  }
0x36: {  	s31 =	sshll.u32 s1, $0xD;
	s1 =	sshrl.u32 s1, $0x2  }
0x37: {  	s3 =	sand.u32 $0x4000, s31;
	s1 =	sadd.s32 s1, s30  }
0x38: {  	s0 =	sor.u32 s3, s0;
	s1 =	sshll.u32 s1, $0x11  }
0x39: {  	s0 =	sor.u32 s1, s0  }
0x3a: {  	s0 =	sadd.s32 $0x8F2B, s0  }
0x3b: {  	[sflag:s0] =	ssyncadd.remote.s32 $0x1  }
0x3c: {  	_ =	sfence.sel $0xFFFF  }
0x3d: {  	[dreg:$0x0] =	wrdreg $0xFFFFFFFF;
	(pc) =	sbr.abs _section_cstart, $3  }
0x3e: {  	[dreg:$0x1] =	wrdreg $0xFFFFFFFF  }
0x3f: {  	_ =	task.clear_ibuf [dreg:s7], $0x2FFFF;
	_ =	strace $0x9FFFFFFF  }
0x40: {  	(tm) =	ssettm $0x7FFFFFFF  }
0x41: {  	_ =	shalt  }
tec
execute0_lowered:
.L_overlay_start_1:
0x0: {  	(tag) =	ssettag $0x1  }
0x1: {  	s0 =	stileid.u32  }
0x2: {  	s1 =	srdreg.scid;
	s6 =	rddreg [dreg:$0x0];
	s7 =	simm.s32 $0x2  }
0x3: {  	s19 =	simm.s32 $0x0;
	s8 =	simm.s32 $0x1400;
	s9 =	simm.s32 $0x0  }
0x4: {  	s21 =	simm.s32 $0x0;
	s1 =	sshll.u32 s1, $0x7;
	s3 =	ssub.s32 $0xC, s0  }
0x5: {  	s22 =	simm.s32 $0x0;
	s2 =	sand.u32 $0x80, s1;
	p0 =	sgt.s32 s3, $0x0  }
0x6: {  	s20 =	simm.s32 $0x0;
	s3 =	simm.s32 @!p0 $0x0;
	s1 =	ssub.s32 $0x200, s2  }
0x7: {  	s10 =	simm.s32 $0x0;
	s4 =	sadd.s32 $0xF, s3;
	s1 =	sshrl.u32 s1, $0x8  }
0x8: {  	s11 =	simm.s32 $0x0;
	s4 =	sshrl.u32 s4, $0x4;
	s5 =	sadd.s32 $0x1, s1  }
0x9: {  	s12 =	simm.s32 $0x0;
	s13 =	simm.s32 $0x0;
	s5 =	smul.u32 s5, s4  }
.Ltmp0:
0xa: {  	s14 =	simm.s32 $0x0;
	s3 =	rddreg [dreg:$0x1];
	(pc) =	sbr.rel .LBB1_1-.Ltmp0, $4  }
0xb: {  	s16 =	stileid.u32;
	s17 =	simm.s32 $0x0;
	s1 =	rddreg [dreg:$0x2]  }
0xc: {  	_ =	strace $0x8000004A;
	s4 =	simm.s32 $0x1;
	s5 =	smul.u32 $0x21, s5  }
0xd: {  	s18 =	simm.s32 $0x0;
	s6 =	sadd.s32 $0xA000, s6;
	[sflag:s4] =	ssyncpa.u1 $0x0  }
0xe: {  	s15 =	smov.u32 s2;
	[sflag:s7] =	ssyncpa.u1 $0x0;
	s7 =	sadd.s32 $0x1, s5  }
.LBB1_7:
0xf: {  	p0 =	slt.u32 s18, $0x2;
	s23 =	smov.u32 s22  }
0x10: {  	s25 =	smov.u32 s16;
	s26 =	smov.u32 s17;
	s9 =	sadd.s32 $0x2000, s9  }
0x11: {  	p1 =	sgt.s32 @!p0 s22, $0xB;
	s24 =	sshra.s32 @!p0 s22, $0x1F;
	p2 =	sgt.s32 @!p0 s19, $0x200  }
0x12: {  	s27 =	simm.s32 @!p0 $0x2;
	p1 =	por !p1, p0;
	s22 =	sand.u32 @!p0 s24, s22  }
0x13: {  	s24 =	sshra.s32 @!p0 s21, $0x1F;
	s23 =	simm.s32 @p1 $0xB;
	p1 =	sgt.s32 @!p0 s21, $0xF9  }
0x14: {  	s22 =	ssub.s32 @!p0 s23, s22;
	p1 =	por !p1, p0;
	s23 =	smov.u32 s21  }
0x15: {  	s21 =	sand.u32 @!p0 s24, s21;
	s24 =	sadd.s32 @!p0 $0xFFFFFFF5, s22;
	s23 =	simm.s32 @p1 $0xF9  }
0x16: {  	p2 =	por !p2, p0;
	p1 =	sgt.s32 @!p0 s24, $0x0;
	s21 =	ssub.s32 @!p0 s23, s21  }
0x17: {  	s22 =	ssub.s32 @!p0 $0xC, s22;
	p1 =	por !p1, p0;
	s23 =	sadd.s32 @!p0 $0xFFFFFF07, s21  }
0x18: {  	s24 =	sshra.s32 @!p0 s19, $0x1F;
	s22 =	simm.s32 @!p1 $0x0;
	p1 =	sgt.s32 @!p0 s23, $0x7  }
0x19: {  	s21 =	ssub.s32 @!p0 $0x101, s21;
	s23 =	ssub.s32 @!p0 $0x0, s20;
	p1 =	por !p1, p0  }
0x1a: {  	s20 =	smin.u32 @!p0 s20, s23;
	s23 =	smov.u32 s19;
	s19 =	sand.u32 @!p0 s24, s19  }
0x1b: {  	s24 =	smov.u32 s14;
	s23 =	simm.s32 @p2 $0x200;
	p2 =	sgt.s32 @!p0 s20, $0x7  }
0x1c: {  	s20 =	ssub.s32 @!p0 $0x8, s20;
	p2 =	por !p2, p0;
	s19 =	ssub.s32 @!p0 s23, s19  }
0x1d: {  	s21 =	simm.s32 @!p1 $0x0;
	s20 =	simm.s32 @!p2 $0x0;
	s23 =	sadd.s32 @!p0 $0xFFFFFE00, s19  }
0x1e: {  	p1 =	sgt.s32 @!p0 s23, $0x7F;
	s20 =	smul.u32 @!p0 s20, s22;
	s23 =	sadd.s32 $0x100, s15  }
0x1f: {  	s19 =	ssub.s32 @!p0 $0x280, s19;
	s22 =	sadd.s32 $0x8, s14;
	p2 =	sgt.s32 s23, $0x240  }
0x20: {  	p1 =	por !p1, p0;
	s20 =	smul.u32 @!p0 s21, s20;
	s24 =	smov.u32 @p2 s22  }
0x21: {  	s19 =	simm.s32 @!p1 $0x0;
	s21 =	sadd.s32 $0x10, s16;
	p1 =	sgt.s32 s24, $0x100  }
0x22: {  	s23 =	smov.u32 @p2 s2;
	s22 =	smov.u32 s12;
	s25 =	smov.u32 @p1 s21  }
0x23: {  	s19 =	smul.u32 @!p0 s19, s20;
	s20 =	sadd.s32 $0x8, s17;
	p2 =	sgt.s32 s25, $0xB  }
0x24: {  	s12 =	smov.u32 s16;
	s24 =	simm.s32 @p1 $0x0;
	s26 =	smov.u32 @p2 s20  }
0x25: {  	s21 =	smov.u32 s11;
	s11 =	smov.u32 s14;
	p1 =	sgt.s32 s26, $0x7  }
0x26: {  	s14 =	smov.u32 s24;
	s26 =	simm.s32 @p1 $0x0;
	p1 =	sne.s32 s18, s7  }
.Ltmp1:
0x27: {  	s19 =	sand.u32 @!p0 $0x3FFFFFFF, s19;
	s25 =	smov.u32 @p2 s0;
	(pc) =	sbr.rel @!p1 .LBB1_8-.Ltmp1, $4  }
0x28: {  	s20 =	smov.u32 s13;
	s13 =	smov.u32 s17;
	_ =	swait.ge @!p0 [sflag:s27], s19  }
0x29: {  	s28 =	ssub.s32 @!p0 $0x0, s19;
	s19 =	smov.u32 s10;
	s10 =	smov.u32 s15  }
0x2a: {  	s15 =	smov.u32 s23;
	s16 =	smov.u32 s25;
	[sflag:s27] =	ssyncset.done @!p0 $0x0  }
0x2b: {  	s18 =	sadd.s32 $0x1, s18;
	[sflag:s27] =	ssyncadd.s32 @!p0 s28;
	s17 =	smov.u32 s26  }
.LBB1_1:
0x2c: {  	p0 =	sge.u32 s18, s5  }
0x2d: {  	s23 =	sshrl.u32 @!p0 s14, $0x3  }
0x2e: {  	s24 =	sshll.u32 @!p0 s15, $0x3;
	s23 =	smul.u32 @!p0 $0x1400, s23  }
0x2f: {  	s25 =	sshll.u32 @!p0 s14, $0x7;
	s24 =	sand.u32 @!p0 $0xFFFFFC00, s24  }
0x30: {  	s23 =	sadd.s32 @!p0 s23, s24;
	s24 =	sand.u32 @!p0 $0x380, s25  }
0x31: {  	s25 =	sand.u32 @!p0 $0x7F, s15;
	s23 =	sor.u32 @!p0 s24, s23  }
0x32: {  	s24 =	sor.u32 @!p0 s25, s23;
	s23 =	smulhi.u32 @!p0 $0xCCCCCCCD, s23;
	_ =	sdelay $0x1  }
0x33: {  	s25 =	smulhi.u32 @!p0 $0xCCCCCCCD, s24;
	s23 =	sshrl.u32 @!p0 s23, $0x9  }
0x34: {  	s26 =	smulhi.u32 @!p0 $0xF83E10, s23  }
0x35: {  	s28 =	smul.u32 @!p0 $0x3DE00, s17  }
0x36: {  	s25 =	sshrl.u32 @!p0 s25, $0x9;
	s26 =	smul.u32 @!p0 $0x108, s26  }
0x37: {  	s31 =	sadd.s32 $0xFFFFFFFF, s18;
	s27 =	sxor.u32 @!p0 $0xFFFFFFFF, s18;
	s25 =	smul.u32 @!p0 $0x280, s25  }
0x38: {  	s27 =	sshll.u32 @!p0 s27, $0xD;
	s23 =	ssub.s32 @!p0 s23, s26;
	s26 =	smul.u32 @!p0 $0x5280, s16  }
0x39: {  	s24 =	ssub.s32 @!p0 s24, s25;
	s25 =	sadd.s32 @!p0 s6, s28;
	s23 =	smul.u32 @!p0 $0x50, s23  }
0x3a: {  	s27 =	sand.u32 @!p0 $0x2000, s27;
	s25 =	sadd.s32 @!p0 s26, s25;
	s26 =	sand.u32 @!p0 $0x7, s24  }
0x3b: {  	s24 =	sshrl.u32 @!p0 s24, $0x3;
	s23 =	sadd.s32 @!p0 s23, s25;
	s25 =	sshll.u32 @!p0 s26, $0x12  }
0x3c: {  	s23 =	sadd.s32 @!p0 s24, s23;
	s24 =	sor.u32 @!p0 $0x400, s25;
	s25 =	simm.s32 @!p0 $0x1EF000  }
0x3d: {  	[tilespmem:s27], [sflag:$0x1] =	stream.strided.gather @!p0 [hbm4b:s23+s24], $0x2000, s25, s24, $0x38;
	[tilespmem:$0x8000] =	vst v63  }
0x3e: {  	p0 =	sge.u32 s31, s5  }
.Ltmp2:
0x3f: {  	_ = 	snop;
	(pc) =	sbr.rel @p0 .LBB1_7-.Ltmp2, $1  }
0x40: {  	_ =	sdelay $0x3  }
0x41: {  	s23 =	sand.u32 $0x2000, s9  }
0x42: {  	_ =	swait.ge [sflag:s4], $0x2000;
	s26 =	sshll.u32 s18, $0xD;
	s24 =	sor.u32 $0x4040, s23  }
0x43: {  	s25 =	sor.u32 $0x40, s23;
	[sflag:s4] =	ssyncset.done $0x0;
	s31 =	sand.u32 $0x2000, s26  }
0x44: {  	s26 =	simm.s32 $0x0;
	[sflag:s4] =	ssyncadd.s32 $0xFFFFE000;
	s23 =	sor.u32 $0x4000, s31  }
.LBB1_3:
0x45: {  	v0 =	vmov s25;
	_ =	sdelay $0x3  }
0x46: {  	s28 =	simm.s32 $0x0  }
0x47: {  	v6 =	vld.idx.msk [tilespmem:v0+s28+$0x30 ss:$0x1], $0xffff  }
0x48: {  	v7 =	vld.idx.msk [tilespmem:v0+s28+$0xFFFFFFC0 ss:$0x1], $0xffff  }
0x49: {  	v5 =	vld.idx.msk [tilespmem:v0+s28+$0xFFFFFFD0 ss:$0x1], $0xffff  }
0x4a: {  	v4 =	vld.idx.msk [tilespmem:v0+s28+$0xFFFFFFE0 ss:$0x1], $0xffff  }
0x4b: {  	v3 =	vld.idx.msk [tilespmem:v0+s28+$0xFFFFFFF0 ss:$0x1], $0xffff  }
0x4c: {  	v1 =	vld.idx.msk [tilespmem:v0+s28+$0x0 ss:$0x1], $0xffff  }
0x4d: {  	v2 =	vld.idx.msk [tilespmem:v0+s28+$0x10 ss:$0x1], $0xffff;
	[tilespmem:s24+$0x30] =	vst v6  }
0x4e: {  	s27 =	simm.s32 $0x80;
	s29 =	simm.s32 $0x400;
	[tilespmem:s24+$0xFFFFFFC0] =	vst v7;
	v6 =	vld.idx.msk [tilespmem:v0+s28+$0x20 ss:$0x1], $0xffff;
	s28 =	smov.u32 s24  }
.LBB1_4:
0x4f: {  	p0 =	sne.s32 s29, $0xE00;
	v7 =	vld.idx.msk [tilespmem:v0+s27+$0x30 ss:$0x1], $0xffff;
	[tilespmem:s28+$0xFFFFFFD0] =	vst v5  }
0x50: {  	v8 =	vld.idx.msk [tilespmem:v0+s27+$0xFFFFFFC0 ss:$0x1], $0xffff;
	[tilespmem:s28+$0xFFFFFFE0] =	vst v4  }
0x51: {  	v5 =	vld.idx.msk [tilespmem:v0+s27+$0xFFFFFFD0 ss:$0x1], $0xffff;
	[tilespmem:s28+$0xFFFFFFF0] =	vst v3  }
.Ltmp3:
0x52: {  	v4 =	vld.idx.msk [tilespmem:v0+s27+$0xFFFFFFE0 ss:$0x1], $0xffff;
	[tilespmem:s28+$0x0] =	vst v1;
	(pc) =	sbr.rel @p0 .LBB1_4-.Ltmp3, $4  }
0x53: {  	v3 =	vld.idx.msk [tilespmem:v0+s27+$0xFFFFFFF0 ss:$0x1], $0xffff;
	[tilespmem:s28+$0x10] =	vst v2  }
0x54: {  	v1 =	vld.idx.msk [tilespmem:v0+s27+$0x0 ss:$0x1], $0xffff;
	[tilespmem:s28+$0x20] =	vst v6;
	s28 =	sadd.s32 $0x400, s28  }
0x55: {  	v2 =	vld.idx.msk [tilespmem:v0+s27+$0x10 ss:$0x1], $0xffff;
	[tilespmem:s28+$0x30] =	vst v7  }
0x56: {  	[tilespmem:s28+$0xFFFFFFC0] =	vst v8;
	v6 =	vld.idx.msk [tilespmem:v0+s27+$0x20 ss:$0x1], $0xffff;
	s27 =	sshra.s32 s29, $0x2;
	s29 =	sadd.s32 $0x200, s29  }
0x57: {  	_ =	sdelay $0x2  }
0x58: {  	[tilespmem:s28+$0xFFFFFFD0] =	vst v5  }
0x59: {  	v56 =	vld.idx.msk [tilespmem:v0+s27+$0x30 ss:$0x1], $0xffff;
	[tilespmem:s28+$0xFFFFFFE0] =	vst v4  }
0x5a: {  	v57 =	vld.idx.msk [tilespmem:v0+s27+$0xFFFFFFC0 ss:$0x1], $0xffff;
	[tilespmem:s28+$0xFFFFFFF0] =	vst v3  }
0x5b: {  	v58 =	vld.idx.msk [tilespmem:v0+s27+$0xFFFFFFD0 ss:$0x1], $0xffff;
	[tilespmem:s28+$0x0] =	vst v1  }
0x5c: {  	v59 =	vld.idx.msk [tilespmem:v0+s27+$0xFFFFFFE0 ss:$0x1], $0xffff;
	[tilespmem:s28+$0x10] =	vst v2  }
0x5d: {  	v60 =	vld.idx.msk [tilespmem:v0+s27+$0xFFFFFFF0 ss:$0x1], $0xffff;
	s31 =	sadd.s32 $0x400, s28;
	[tilespmem:s28+$0x20] =	vst v6  }
0x5e: {  	v61 =	vld.idx.msk [tilespmem:v0+s27+$0x0 ss:$0x1], $0xffff;
	[tilespmem:s31+$0x30] =	vst v56  }
0x5f: {  	v62 =	vld.idx.msk [tilespmem:v0+s27+$0x10 ss:$0x1], $0xffff;
	s26 =	sadd.s32 $0x1, s26;
	[tilespmem:s31+$0xFFFFFFC0] =	vst v57  }
0x60: {  	v63 =	vld.idx.msk [tilespmem:v0+s27+$0x20 ss:$0x1], $0xffff;
	p0 =	sne.s32 s26, $0x8;
	[tilespmem:s31+$0xFFFFFFD0] =	vst v58  }
.Ltmp4:
0x61: {  	[tilespmem:s31+$0xFFFFFFE0] =	vst v59;
	(pc) =	sbr.rel @p0 .LBB1_3-.Ltmp4, $4  }
0x62: {  	[tilespmem:s31+$0xFFFFFFF0] =	vst v60  }
0x63: {  	[tilespmem:s31+$0x0] =	vst v61  }
0x64: {  	[tilespmem:s31+$0x10] =	vst v62  }
0x65: {  	s24 =	sadd.s32 $0x80, s24;
	s25 =	sadd.s32 $0x400, s25;
	[tilespmem:s31+$0x20] =	vst v63  }
0x66: {  	s24 =	sshrl.u32 s13, $0x3;
	s25 =	sshll.u32 s10, $0x3;
	s26 =	sshll.u32 s13, $0x7  }
0x67: {  	s30 =	sand.u32 $0x7F, s10;
	p0 =	sgt.s32 s12, $0xB;
	s27 =	smov.u32 s12  }
0x68: {  	s28 =	sshra.s32 s12, $0x1F;
	s31 =	ssub.s32 $0x0, s13;
	s24 =	smul.u32 $0x1400, s24  }
0x69: {  	s25 =	sand.u32 $0xFFFFFC00, s25;
	s29 =	sand.u32 $0x380, s26;
	s27 =	simm.s32 @!p0 $0xB  }
0x6a: {  	s28 =	sand.u32 s28, s12;
	p0 =	sgt.s32 s11, $0xF9;
	s24 =	sadd.s32 s24, s25  }
0x6b: {  	s27 =	ssub.s32 s27, s28;
	s28 =	smov.u32 s11;
	s24 =	sor.u32 s29, s24  }
0x6c: {  	s28 =	simm.s32 @!p0 $0xF9;
	s29 =	sshra.s32 s11, $0x1F;
	s25 =	sor.u32 s30, s24  }
0x6d: {  	s30 =	sadd.s32 $0xFFFFFFF5, s27;
	s29 =	sand.u32 s29, s11;
	s24 =	smulhi.u32 $0xCCCCCCCD, s24  }
0x6e: {  	s27 =	ssub.s32 $0xC, s27;
	s26 =	smulhi.u32 $0xCCCCCCCD, s25;
	p0 =	sgt.s32 s30, $0x0  }
0x6f: {  	s28 =	ssub.s32 s28, s29;
	s30 =	smin.u32 s13, s31;
	s31 =	sshra.s32 s10, $0x1F  }
0x70: {  	s27 =	simm.s32 @p0 $0x0;
	s29 =	sadd.s32 $0xFFFFFF07, s28;
	s28 =	ssub.s32 $0x101, s28  }
0x71: {  	s24 =	sshrl.u32 s24, $0x9;
	s26 =	sshrl.u32 s26, $0x9;
	p0 =	sgt.s32 s29, $0x7  }
0x72: {  	s29 =	ssub.s32 $0x8, s30;
	s24 =	sand.u32 $0x7, s24;
	s26 =	smul.u32 $0x280, s26  }
0x73: {  	s28 =	simm.s32 @p0 $0x0;
	p0 =	sgt.s32 s30, $0x7;
	s30 =	smov.u32 s10  }
0x74: {  	s24 =	smul.u32 $0x50, s24;
	s29 =	simm.s32 @p0 $0x0;
	p0 =	sgt.s32 s10, $0x200  }
0x75: {  	s27 =	smul.u32 s29, s27;
	s30 =	simm.s32 @!p0 $0x200;
	s29 =	sand.u32 s31, s10  }
0x76: {  	s25 =	ssub.s32 s25, s26;
	s31 =	smul.u32 $0x28280, s12;
	s26 =	ssub.s32 s30, s29  }
0x77: {  	s27 =	smul.u32 s28, s27;
	s30 =	sadd.s32 $0xFFFFFE00, s26  }
0x78: {  	s26 =	ssub.s32 $0x280, s26;
	p0 =	sgt.s32 s30, $0x7F;
	s30 =	smul.u32 $0x280, s11  }
.Ltmp5:
0x79: {  	s29 =	sadd.s32 s3, s31;
	s26 =	simm.s32 @p0 $0x0;
	(pc) =	sbr.rel .LBB1_7-.Ltmp5, $4  }
0x7a: {  	s26 =	smul.u32 s26, s27;
	s31 =	sadd.s32 s30, s29;
	s29 =	sand.u32 $0x7, s25  }
0x7b: {  	s25 =	sshrl.u32 s25, $0x3;
	s24 =	sadd.s32 s24, s31;
	s30 =	sshll.u32 s29, $0x12  }
0x7c: {  	s26 =	sand.u32 $0x3FFFFFFF, s26;
	s24 =	sadd.s32 s25, s24;
	s31 =	sor.u32 $0x400, s30  }
0x7d: {  	[hbm4b:s24+s31] =	stream.strided.scatter [tilespmem:s23], [sflag:$0x2], s26, s8, s31, $0x38;
	[tilespmem:$0x8000] =	vst v63  }
.LBB1_8:
0x7e: {  	_ =	sfence.sel $0x180000  }
0x7f: {  	s2 =	simm.s32 $0x1;
	[bflag:$0x0] =	sbarrier.arrive $0xFFFF  }
0x80: {  	s31 =	simm.s32 $0x2;
	[sflag:s2] =	ssyncpa.u1 $0x1  }
0x81: {  	[sflag:s31] =	ssyncpa.u1 $0x1  }
0x82: {  	p0 =	sne.s32 s0, $0x0;
	_ =	strace $0x9000004A  }
0x83: {  	s0 =	sadd.s32 @!p0 $0x100000, s1;
	[bflag:$0x2] =	sbarrier.arrive $0xFFFF  }
0x84: {  	[sflag:s0] =	ssyncadd.tile.s32 @!p0 $0x1;
	_ =	shalt  }
.Lfunc_end1:
_tile_overlayer_lowered:
.L_overlay_start_2:
0x85: {  	(tag) =	ssettag $0x2  }
0x86: {  	s0 =	rddreg [dreg:$0x0];
	s2 =	stileid.u32  }
0x87: {  	s1 =	rddreg [dreg:$0x1];
	p0 =	sne.s32 s2, $0x0  }
0x88: {  	s3 =	rddreg [dreg:$0x2];
	[bflag:$0x3] =	sbarrier.arrive $0xFFFF;
	s2 =	simm.s32 @!p0 $0x1C01  }
0x89: {  	[timem:s3], [sflag:s2] =	dma.local @!p0 [hbm:s0], s1  }
0x8a: {  	s0 =	simm.s32 @!p0 $0x1  }
0x8b: {  	_ =	swait.ge @!p0 [sflag:s0], s1  }
0x8c: {  	s1 =	ssub.s32 @!p0 $0x0, s1;
	[sflag:s0] =	ssyncset.done @!p0 $0x0  }
0x8d: {  	[sflag:s0] =	ssyncadd.s32 @!p0 s1  }
0x8e: {  	[bflag:$0x3] =	sbarrier.arrive $0xFFFF  }
0x8f: {  	_ =	shalt  }

</sc_bundles>
